<compile_context>
chip_gen: v7x
topology: tpu7x:2x2x1
jax: 0.10.2.dev20260603
libtpu: 0.0.44.dev20260713+nightly
codegen_flags: <defaults>
</compile_context>

<pallas_src>
import functools

import jax
import jax.numpy as jnp
from jax import lax
from jax.experimental import pallas as pl
from jax.experimental.pallas import tpu as pltpu
from jax.experimental.pallas import tpu_sc as plsc

L, B, H, S, V, QK = 4, 1, 12, 2048, 1024, 8
LH = L * H
EPS = 1e-08
NC, NS, LANES = 2, 16, 16
NW = NC * NS
NB = LH - NW
IDXW = 32
CHUNKS = V // LANES


def _gather_body(table, tq_hbm, vis_hbm, out_tgt, out_qsum,
                 tq16_v, idx_a_v, idx_b_v, rows_a, rows_b, vis_v, tgt_v,
                 tgt_v2, acc_v, sem_a, sem_b):
    wid = lax.axis_index("s") * NC + lax.axis_index("c")
    wid_s = wid * S
    b_s = (NW + lax.rem(wid, NS)) * S
    half = jnp.where(wid >= NS, 4, 0)
    pltpu.sync_copy(tq_hbm, tq16_v.at[pl.ds(0, QK)])
    tql = tq16_v[...]
    lane = lax.iota(jnp.int32, 16)
    pos = jnp.where(lane < QK, lane,
                    jnp.where(lane < 12, half + lane - QK, 0))
    vals = tql.at[pos].get(mode="promise_in_bounds")
    base = jnp.where((lane < QK) | (lane == 12), wid_s, b_s)
    idxv = base + jnp.where(lane < 12, vals, S - 1)
    store_scatter = plsc.store_scatter
    store_scatter(idx_a_v, [jnp.where(lane < QK, lane, 0)], idxv,
                  mask=lane < QK)
    store_scatter(idx_b_v, [jnp.clip(lane - QK, 0, QK - 1)], idxv,
                  mask=lane >= QK)
    cp_a = pltpu.make_async_copy(table.at[idx_a_v], rows_a, sem_a)
    cp_b = pltpu.make_async_copy(table.at[idx_b_v], rows_b, sem_b)
    cp_a.start()
    cp_b.start()
    pltpu.sync_copy(vis_hbm, vis_v)

    def col_at(c):
        off = pl.multiple_of(c * LANES, LANES)
        return off, vis_v[pl.ds(off, LANES)]

    def gather_row(rows, j, col):
        row = jnp.full((LANES,), j, jnp.int32)
        return plsc.load_gather(rows, [row, col])

    def qsum_out(slot, qacc):
        acc_v[...] = qacc
        pltpu.sync_copy(acc_v, out_qsum.at[slot])

    zero = jnp.zeros((LANES,), jnp.float32)

    with jax.named_scope("wait_a"):
        cp_a.wait()

    with jax.named_scope("loop_a"):
        @plsc.parallel_loop(0, CHUNKS, unroll=2, carry=zero)
        def qacc_a(c, acc):
            _, col = col_at(c)
            g = [gather_row(rows_a, j, col) for j in range(QK)]
            return acc + (((g[0] + g[1]) + (g[2] + g[3]))
                          + ((g[4] + g[5]) + (g[6] + g[7])))

        qsum_out(wid, qacc_a)

    with jax.named_scope("wait_b"):
        cp_b.wait()

    with jax.named_scope("loop_b"):
        @plsc.parallel_loop(0, CHUNKS, unroll=2, carry=zero)
        def qacc_b(c, acc):
            off, col = col_at(c)
            g = [gather_row(rows_b, j, col) for j in range(4)]
            tgt_v[pl.ds(off, LANES)] = gather_row(rows_b, 4, col)
            tgt_v2[pl.ds(off, LANES)] = gather_row(rows_b, 5, col)
            return acc + ((g[0] + g[1]) + (g[2] + g[3]))

        qsum_out(NW + wid, qacc_b)
        pltpu.sync_copy(tgt_v, out_tgt.at[wid])

    @pl.when(wid >= NS)
    def _tgt_b():
        pltpu.sync_copy(tgt_v2, out_tgt.at[NW + wid - NS])


_gather = functools.partial(
    pl.kernel,
    out_type=(jax.ShapeDtypeStruct((LH, V), jnp.float32),
              jax.ShapeDtypeStruct((2 * NW, LANES), jnp.float32)),
    mesh=plsc.VectorSubcoreMesh(core_axis_name="c", subcore_axis_name="s"),
    scratch_types=[
        pltpu.VMEM((LANES,), jnp.int32),
        pltpu.VMEM((QK,), jnp.int32),
        pltpu.VMEM((QK,), jnp.int32),
        pltpu.VMEM((QK, S), jnp.float32),
        pltpu.VMEM((QK, S), jnp.float32),
        pltpu.VMEM((V,), jnp.int32),
        pltpu.VMEM((V,), jnp.float32),
        pltpu.VMEM((V,), jnp.float32),
        pltpu.VMEM((LANES,), jnp.float32),
        pltpu.SemaphoreType.DMA,
        pltpu.SemaphoreType.DMA,
    ],
    compiler_params=pltpu.CompilerParams(needs_layout_passes=False),
)(_gather_body)


def _combine_body(qsum16_ref, tgt_ref, labels_ref, out_m_ref, out_l_ref):
    tgt = tgt_ref[...]
    q64 = jnp.sum(qsum16_ref[...], axis=1, keepdims=True)
    q = jnp.concatenate([q64[:NW], q64[NW:NW + NB] + q64[NW + NB:]], axis=0)
    e = jnp.exp(q - jnp.max(q))
    hw = e / jnp.sum(e)
    ii = lax.broadcasted_iota(jnp.int32, (LH, LH), 0)
    jj = lax.broadcasted_iota(jnp.int32, (LH, LH), 1)
    eye = (ii == jj).astype(jnp.float32)
    ones_row = jnp.ones((1, LH), jnp.float32)
    f_col = jnp.sum(tgt, axis=1, keepdims=True)
    f_row = jnp.dot(ones_row, f_col * eye,
                    precision=lax.Precision.HIGHEST)
    cmp = (f_row > f_col) | ((f_row == f_col) & (jj < ii))
    rank = jnp.sum(cmp.astype(jnp.float32), axis=1, keepdims=True)
    hw_row = jnp.dot(ones_row, hw * eye,
                     precision=lax.Precision.HIGHEST)
    w = jnp.sum(jnp.where(rank == jj.astype(jnp.float32), hw_row, 0.0),
                axis=1, keepdims=True)
    merged = jnp.sum(w * tgt, axis=0, keepdims=True)
    merged = merged / (jnp.sum(merged) + EPS)
    lab = labels_ref[...]
    t = lab / (jnp.sum(lab) + EPS)
    pred_log = jnp.log(merged)
    safe_t = jnp.where(t > 0, t, 1.0)
    kl = jnp.where(t > 0, t * (jnp.log(safe_t) - pred_log), 0.0)
    out_m_ref[...] = merged
    out_l_ref[...] = jnp.sum(kl, keepdims=True)


_combine = pl.pallas_call(
    _combine_body,
    out_shape=(jax.ShapeDtypeStruct((1, V), jnp.float32),
               jax.ShapeDtypeStruct((1, 1), jnp.float32)),
)


def kernel(query_indices, visual_indices, target_indices, self_attentions,
           topk_query_indices, global_pattern_per_query, batch_idx, labels):
    table = self_attentions.reshape(L * H * S, S)
    vis = visual_indices.astype(jnp.int32)
    tq = topk_query_indices.astype(jnp.int32)
    tgt, qsum16 = _gather(table, tq, vis)
    merged, loss = _combine(qsum16, tgt, labels.astype(jnp.float32))
    return merged, loss.reshape(())

# --- scband reference (transcript-rebuilt; emitter-appended) ---
"""Pipeline reference for scband-grounding-head-multi-patch-attention-31791347925591 (READ-ONLY COPY).

The authoritative reference and input builder live on the scoring server;
editing this copy changes nothing except your own understanding.
"""

import jax, jax.numpy as jnp
import numpy as np

L, B, H, S, V, QK = 4, 1, 12, 2048, 1024, 8
TOPK = 48
EPS = 1e-08


def setup_inputs(seed: int = 0):
    key = jax.random.key(seed)
    ks = jax.random.split(key, 8)
    return {
        "query_indices": jax.random.randint(ks[0], (QK,), 0, S),
        "visual_indices": jnp.sort(jax.random.randint(ks[1], (V,), 0, S - 1)),
        "target_indices": jax.random.randint(ks[2], (1,), 0, S),
        "self_attentions": jax.random.uniform(ks[3], (L, B, H, S, S), dtype=jnp.float32),
        "topk_query_indices": jax.random.randint(ks[4], (QK,), 0, S - 1),
        "global_pattern_per_query": jax.random.uniform(ks[5], (S - 1,), dtype=jnp.float32),
        "batch_idx": 0,
        "labels": jax.random.uniform(ks[6], (1, V), dtype=jnp.float32),
    }


def reference(query_indices, visual_indices, target_indices, self_attentions,
              topk_query_indices, global_pattern_per_query, batch_idx, labels):
    # config: kl_query_weighting=False, query_topk=8, layer_wise_query_weighting=False; self.topk=TOPK
    all_head = []
    q_attns = []
    n_layers = self_attentions.shape[0]
    for layer_idx in range(n_layers):
        sample = self_attentions[layer_idx][batch_idx]                      # [H, S, S]
        # query_topk branch (not layer-wise): gather topk query rows then visual cols
        q_attn = sample[:, topk_query_indices, :][:, :, visual_indices]     # [H, QK, V]
        q_attns.append(q_attn)
        # torch: sample[:, -1, visual_indices.unsqueeze(0)] -> [H,1,V] -> squeeze(1)
        tgt = sample[:, -1, :][:, visual_indices]                           # [H, V]
        all_head.append(tgt)
    all_cat = jnp.concatenate(all_head, axis=0)                             # [L*H, V]
    q_cat = jnp.concatenate(q_attns, axis=0)                                # [L*H, QK, V]
    head_weights = jax.nn.softmax(q_cat.sum(axis=(-1, -2)), axis=-1)        # [L*H]
    # topk over flat head scores (no_grad in torch -> stop_gradient)
    flat = jax.lax.stop_gradient(all_cat).sum(axis=-1)                      # [L*H]
    _, topk_idx = jax.lax.top_k(flat, TOPK)
    sel = all_cat[topk_idx]                                                 # [TOPK, V]
    merged = (head_weights[:, None] * sel).sum(axis=0, keepdims=True)       # [1, V]
    merged = merged / (merged.sum(axis=-1, keepdims=True) + EPS)
    attn_weights = merged
    # KL loss vs normalized labels (F.kl_div batchmean semantics)
    labels_f = labels.astype(jnp.float32)
    target_dist = labels_f / (labels_f.sum(axis=-1, keepdims=True) + EPS)
    pred_log = jnp.log(attn_weights)
    safe_t = jnp.where(target_dist > 0, target_dist, 1.0)
    kl = jnp.where(target_dist > 0, target_dist * (jnp.log(safe_t) - pred_log), 0.0)
    loss = kl.sum() / target_dist.shape[0]
    return attn_weights, loss


if False:  # reference __main__ guard neutralized (emitter)
    out = reference(**setup_inputs())
    print(out[0].shape, out[1])

if __name__ == "__main__":
    import jax
    _d = setup_inputs()
    print(jax.jit(kernel)(*tuple(_d.values())))

</pallas_src>

<mosaic_0001>
#map = affine_map<(d0, d1) -> (0, 0)>
#map1 = affine_map<(d0, d1) -> (0)>
module attributes {stable_mosaic.version = 14 : i64} {
  func.func @_gather_body(%arg0: i32, %arg1: i32, %arg2: memref<98304x2048xf32, #tpu.memory_space<hbm>>, %arg3: memref<8xi32, #tpu.memory_space<hbm>>, %arg4: memref<1024xi32, #tpu.memory_space<hbm>>, %arg5: memref<48x1024xf32, #tpu.memory_space<hbm>>, %arg6: memref<64x16xf32, #tpu.memory_space<hbm>>, %arg7: memref<16xi32, #tpu.memory_space<vmem>>, %arg8: memref<8xi32, #tpu.memory_space<vmem>>, %arg9: memref<8xi32, #tpu.memory_space<vmem>>, %arg10: memref<8x2048xf32, #tpu.memory_space<vmem>>, %arg11: memref<8x2048xf32, #tpu.memory_space<vmem>>, %arg12: memref<1024xi32, #tpu.memory_space<vmem>>, %arg13: memref<1024xf32, #tpu.memory_space<vmem>>, %arg14: memref<1024xf32, #tpu.memory_space<vmem>>, %arg15: memref<16xf32, #tpu.memory_space<vmem>>, %arg16: memref<!tpu.dma_semaphore, #tpu.memory_space<semaphore_mem>>, %arg17: memref<!tpu.dma_semaphore, #tpu.memory_space<semaphore_mem>>) attributes {dimension_semantics = [#tpu.dimension_semantics<core_parallel>, #tpu.dimension_semantics<subcore_parallel>], iteration_bounds = array<i64: 2, 16>, scalar_prefetch = 0 : i64, scratch_operands = 11 : i64, tpu.core_type = #tpu.core_type<sc_vector_subcore>, window_params = [{transform_indices = #map}, {transform_indices = #map1}, {transform_indices = #map1}, {transform_indices = #map}, {transform_indices = #map}]} {
    %mul3A = arith.constant 2 : i32
    %mul3A_0 = arith.muli %arg1, %mul3A : i32
    %add3A = arith.addi %mul3A_0, %arg0 : i32
    %mul3A_1 = arith.constant 2048 : i32
    %mul3A_2 = arith.muli %add3A, %mul3A_1 : i32
    %rem3A = arith.constant 16 : i32
    %rem3A_3 = arith.remsi %add3A, %rem3A : i32
    %add3A_4 = arith.constant 32 : i32
    %add3A_5 = arith.addi %add3A_4, %rem3A_3 : i32
    %mul3A_6 = arith.constant 2048 : i32
    %mul3A_7 = arith.muli %add3A_5, %mul3A_6 : i32
    %ge3A = arith.constant 16 : i32
    %ge3A_8 = arith.cmpi sge, %add3A, %ge3A : i32
    %jit3A = arith.constant 4 : i32
    %jit3A_9 = arith.constant 0 : i32
    %select_n3A = arith.select %ge3A_8, %jit3A, %jit3A_9 : i32
    "tpu.region"() ({
      %run_scoped3A = tpu.sem_alloc : memref<!tpu.dma_semaphore, #tpu.memory_space<semaphore_mem>>
      %dma_start3A_93 = arith.constant 0 : i32
      %dma_start3A_94 = tpu.memref_slice %arg7[%dma_start3A_93] : memref<16xi32, #tpu.memory_space<vmem>> -> memref<8xi32, #tpu.memory_space<vmem>>
      %dma_start3A_95 = arith.constant 0 : i32
      %dma_start3A_96 = tpu.memref_slice %arg7[%dma_start3A_95] : memref<16xi32, #tpu.memory_space<vmem>> -> memref<8xi32, #tpu.memory_space<vmem>>
      tpu.enqueue_dma source(%arg3 : memref<8xi32, #tpu.memory_space<hbm>>) target(%dma_start3A_96 : memref<8xi32, #tpu.memory_space<vmem>>) target_semaphore(%run_scoped3A : memref<!tpu.dma_semaphore, #tpu.memory_space<semaphore_mem>>)
      %dma_wait3A_97 = arith.constant 0 : i32
      %dma_wait3A_98 = tpu.memref_slice %arg7[%dma_wait3A_97] : memref<16xi32, #tpu.memory_space<vmem>> -> memref<8xi32, #tpu.memory_space<vmem>>
      %dma_wait3A_99 = arith.constant 0 : i32
      %dma_wait3A_100 = tpu.memref_slice %arg7[%dma_wait3A_99] : memref<16xi32, #tpu.memory_space<vmem>> -> memref<8xi32, #tpu.memory_space<vmem>>
      tpu.wait_dma2 semaphore(%run_scoped3A : memref<!tpu.dma_semaphore, #tpu.memory_space<semaphore_mem>>) src(%arg3 : memref<8xi32, #tpu.memory_space<hbm>>) dst(%dma_wait3A_100 : memref<8xi32, #tpu.memory_space<vmem>>)
      tpu.yield
    }) : () -> ()
    %get3A = arith.constant 0 : index
    %get3A_10 = tpu.vector_load %arg7[%get3A] {strides = array<i32>} : memref<16xi32, #tpu.memory_space<vmem>>, vector<16xi32>,
    %iota3A = tpu.iota {dimensions = array<i32: 0>} : vector<16xi32>
    %lt3A = arith.constant 8 : i32
    %lt3A_11 = vector.broadcast %lt3A : i32 to vector<16xi32>
    %lt3A_12 = arith.cmpi slt, %iota3A, %lt3A_11 : vector<16xi32>
    %lt3A_13 = arith.constant 12 : i32
    %lt3A_14 = vector.broadcast %lt3A_13 : i32 to vector<16xi32>
    %lt3A_15 = arith.cmpi slt, %iota3A, %lt3A_14 : vector<16xi32>
    %add3A_16 = vector.broadcast %select_n3A : i32 to vector<16xi32>
    %add3A_17 = arith.addi %add3A_16, %iota3A : vector<16xi32>
    %sub3A = arith.constant 8 : i32
    %sub3A_18 = vector.broadcast %sub3A : i32 to vector<16xi32>
    %sub3A_19 = arith.subi %add3A_17, %sub3A_18 : vector<16xi32>
    %jit3A_20 = arith.constant 0 : i32
    %broadcast_in_dim3A = vector.broadcast %jit3A_20 : i32 to vector<16xi32>
    %select_n3A_21 = arith.select %lt3A_15, %sub3A_19, %broadcast_in_dim3A : vector<16xi1>, vector<16xi32>
    %select_n3A_22 = arith.select %lt3A_12, %iota3A, %select_n3A_21 : vector<16xi1>, vector<16xi32>
    %lt3A_23 = arith.constant 0 : i32
    %lt3A_24 = vector.broadcast %lt3A_23 : i32 to vector<16xi32>
    %lt3A_25 = arith.cmpi slt, %select_n3A_22, %lt3A_24 : vector<16xi32>
    %add3A_26 = arith.constant 16 : i32
    %add3A_27 = vector.broadcast %add3A_26 : i32 to vector<16xi32>
    %add3A_28 = arith.addi %select_n3A_22, %add3A_27 : vector<16xi32>
    %select_n3A_29 = arith.select %lt3A_25, %add3A_28, %select_n3A_22 : vector<16xi1>, vector<16xi32>
    %broadcast_in_dim3A_30 = vector.shape_cast %select_n3A_29 : vector<16xi32> to vector<16x1xi32>
    %gather3A = vector.shape_cast %broadcast_in_dim3A_30 : vector<16x1xi32> to vector<16xi32>
    %gather3A_31 = tpu.dynamic_gather %get3A_10[%gather3A] in [0] : vector<16xi32>, vector<16xi32> -> vector<16xi32>
    %lt3A_32 = arith.constant 8 : i32
    %lt3A_33 = vector.broadcast %lt3A_32 : i32 to vector<16xi32>
    %lt3A_34 = arith.cmpi slt, %iota3A, %lt3A_33 : vector<16xi32>
    %eq3A = arith.constant 12 : i32
    %eq3A_35 = vector.broadcast %eq3A : i32 to vector<16xi32>
    %eq3A_36 = arith.cmpi eq, %iota3A, %eq3A_35 : vector<16xi32>
    %or3A = arith.ori %lt3A_34, %eq3A_36 : vector<16xi1>
    %broadcast_in_dim3A_37 = vector.broadcast %mul3A_2 : i32 to vector<16xi32>
    %broadcast_in_dim3A_38 = vector.broadcast %mul3A_7 : i32 to vector<16xi32>
    %select_n3A_39 = arith.select %or3A, %broadcast_in_dim3A_37, %broadcast_in_dim3A_38 : vector<16xi1>, vector<16xi32>
    %lt3A_40 = arith.constant 12 : i32
    %lt3A_41 = vector.broadcast %lt3A_40 : i32 to vector<16xi32>
    %lt3A_42 = arith.cmpi slt, %iota3A, %lt3A_41 : vector<16xi32>
    %jit3A_43 = arith.constant 2047 : i32
    %broadcast_in_dim3A_44 = vector.broadcast %jit3A_43 : i32 to vector<16xi32>
    %select_n3A_45 = arith.select %lt3A_42, %gather3A_31, %broadcast_in_dim3A_44 : vector<16xi1>, vector<16xi32>
    %add3A_46 = arith.addi %select_n3A_39, %select_n3A_45 : vector<16xi32>
    %lt3A_47 = arith.constant 8 : i32
    %lt3A_48 = vector.broadcast %lt3A_47 : i32 to vector<16xi32>
    %lt3A_49 = arith.cmpi slt, %iota3A, %lt3A_48 : vector<16xi32>
    %jit3A_50 = arith.constant 0 : i32
    %broadcast_in_dim3A_51 = vector.broadcast %jit3A_50 : i32 to vector<16xi32>
    %select_n3A_52 = arith.select %lt3A_49, %iota3A, %broadcast_in_dim3A_51 : vector<16xi1>, vector<16xi32>
    %lt3A_53 = arith.constant 8 : i32
    %lt3A_54 = vector.broadcast %lt3A_53 : i32 to vector<16xi32>
    %lt3A_55 = arith.cmpi slt, %iota3A, %lt3A_54 : vector<16xi32>
    tpu.vector_store_idx %arg8[%select_n3A_52], %add3A_46 masked %lt3A_55 : memref<8xi32, #tpu.memory_space<vmem>>[vector<16xi32>], vector<16xi32>, vector<16xi1>
    %sub3A_56 = arith.constant 8 : i32
    %sub3A_57 = vector.broadcast %sub3A_56 : i32 to vector<16xi32>
    %sub3A_58 = arith.subi %iota3A, %sub3A_57 : vector<16xi32>
    %jit3A_59 = arith.constant 0 : i32
    %jit3A_60 = arith.constant 7 : i32
    %max3A = vector.broadcast %jit3A_59 : i32 to vector<16xi32>
    %max3A_61 = arith.maxsi %max3A, %sub3A_58 : vector<16xi32>
    %min3A = vector.broadcast %jit3A_60 : i32 to vector<16xi32>
    %min3A_62 = arith.minsi %min3A, %max3A_61 : vector<16xi32>
    %ge3A_63 = arith.constant 8 : i32
    %ge3A_64 = vector.broadcast %ge3A_63 : i32 to vector<16xi32>
    %ge3A_65 = arith.cmpi sge, %iota3A, %ge3A_64 : vector<16xi32>
    tpu.vector_store_idx %arg9[%min3A_62], %add3A_46 masked %ge3A_65 : memref<8xi32, #tpu.memory_space<vmem>>[vector<16xi32>], vector<16xi32>, vector<16xi1>
    %dma_start3A = arith.constant 0 : i32
    %dma_start3A_66 = arith.constant 0 : i32
    %dma_start3A_67 = tpu.memref_slice %arg2[%dma_start3A, %dma_start3A_66] : memref<98304x2048xf32, #tpu.memory_space<hbm>> -> memref<98304x2048xf32, #tpu.memory_space<hbm>>
    tpu.enqueue_indirect_dma source(%dma_start3A_67 : memref<98304x2048xf32, #tpu.memory_space<hbm>>) target(%arg10 : memref<8x2048xf32, #tpu.memory_space<vmem>>) offsets(%arg8 : memref<8xi32, #tpu.memory_space<vmem>>) semaphore(%arg16 : memref<!tpu.dma_semaphore, #tpu.memory_space<semaphore_mem>>)
    %dma_start3A_68 = arith.constant 0 : i32
    %dma_start3A_69 = arith.constant 0 : i32
    %dma_start3A_70 = tpu.memref_slice %arg2[%dma_start3A_68, %dma_start3A_69] : memref<98304x2048xf32, #tpu.memory_space<hbm>> -> memref<98304x2048xf32, #tpu.memory_space<hbm>>
    tpu.enqueue_indirect_dma source(%dma_start3A_70 : memref<98304x2048xf32, #tpu.memory_space<hbm>>) target(%arg11 : memref<8x2048xf32, #tpu.memory_space<vmem>>) offsets(%arg9 : memref<8xi32, #tpu.memory_space<vmem>>) semaphore(%arg17 : memref<!tpu.dma_semaphore, #tpu.memory_space<semaphore_mem>>)
    "tpu.region"() ({
      %run_scoped3A = tpu.sem_alloc : memref<!tpu.dma_semaphore, #tpu.memory_space<semaphore_mem>>
      tpu.enqueue_dma source(%arg4 : memref<1024xi32, #tpu.memory_space<hbm>>) target(%arg12 : memref<1024xi32, #tpu.memory_space<vmem>>) target_semaphore(%run_scoped3A : memref<!tpu.dma_semaphore, #tpu.memory_space<semaphore_mem>>)
      tpu.wait_dma2 semaphore(%run_scoped3A : memref<!tpu.dma_semaphore, #tpu.memory_space<semaphore_mem>>) src(%arg4 : memref<1024xi32, #tpu.memory_space<hbm>>) dst(%arg12 : memref<1024xi32, #tpu.memory_space<vmem>>)
      tpu.yield
    }) : () -> ()
    %broadcast_in_dim3A_71 = arith.constant 0.000000e+00 : f32
    %broadcast_in_dim3A_72 = vector.broadcast %broadcast_in_dim3A_71 : f32 to vector<16xf32>
    "tpu.trace_start"() <{level = 10 : i32, message = "wait_a"}> : () -> ()
    %dma_wait3A = arith.constant 0 : i32
    %dma_wait3A_73 = arith.constant 0 : i32
    %dma_wait3A_74 = tpu.memref_slice %arg2[%dma_wait3A, %dma_wait3A_73] : memref<98304x2048xf32, #tpu.memory_space<hbm>> -> memref<98304x2048xf32, #tpu.memory_space<hbm>>
    tpu.wait_indirect_dma semaphore(%arg16 : memref<!tpu.dma_semaphore, #tpu.memory_space<semaphore_mem>>) src(%dma_wait3A_74 : memref<98304x2048xf32, #tpu.memory_space<hbm>>) dst(%arg10 : memref<8x2048xf32, #tpu.memory_space<vmem>>)
    %parallel_loop3A = arith.constant 0 : i32
    %parallel_loop3A_75 = arith.constant 64 : i32
    %parallel_loop3A_76 = arith.constant 1 : i32
    "tpu.trace_stop"() : () -> ()
    "tpu.trace_start"() <{level = 10 : i32, message = "loop_a"}> : () -> ()
    %parallel_loop3A_77 = scf.for %parallel_loop3A_93 = %parallel_loop3A to %parallel_loop3A_75 step %parallel_loop3A_76 iter_args(%parallel_loop3A_94 = %broadcast_in_dim3A_72) -> (vector<16xf32>)  : i32 {
      %parallel_loop3A_95 = arith.constant 16 : i32
      %parallel_loop3A_96 = arith.muli %parallel_loop3A_93, %parallel_loop3A_95 : i32
      %parallel_loop3A_97 = tpu.assume_multiple %parallel_loop3A_96, 16 : i32
      %parallel_loop3A_98 = arith.index_cast %parallel_loop3A_97 : i32 to index
      %parallel_loop3A_99 = tpu.vector_load %arg12[%parallel_loop3A_98] {strides = array<i32>} : memref<1024xi32, #tpu.memory_space<vmem>>, vector<16xi32>,
      %parallel_loop3A_100 = arith.constant 0 : i32
      %parallel_loop3A_101 = vector.broadcast %parallel_loop3A_100 : i32 to vector<16xi32>
      %parallel_loop3A_102 = tpu.vector_load_idx %arg10[%parallel_loop3A_101, %parallel_loop3A_99] : memref<8x2048xf32, #tpu.memory_space<vmem>>[vector<16xi32>, vector<16xi32>], vector<16xf32>,
      %parallel_loop3A_103 = arith.constant 1 : i32
      %parallel_loop3A_104 = vector.broadcast %parallel_loop3A_103 : i32 to vector<16xi32>
      %parallel_loop3A_105 = tpu.vector_load_idx %arg10[%parallel_loop3A_104, %parallel_loop3A_99] : memref<8x2048xf32, #tpu.memory_space<vmem>>[vector<16xi32>, vector<16xi32>], vector<16xf32>,
      %parallel_loop3A_106 = arith.constant 2 : i32
      %parallel_loop3A_107 = vector.broadcast %parallel_loop3A_106 : i32 to vector<16xi32>
      %parallel_loop3A_108 = tpu.vector_load_idx %arg10[%parallel_loop3A_107, %parallel_loop3A_99] : memref<8x2048xf32, #tpu.memory_space<vmem>>[vector<16xi32>, vector<16xi32>], vector<16xf32>,
      %parallel_loop3A_109 = arith.constant 3 : i32
      %parallel_loop3A_110 = vector.broadcast %parallel_loop3A_109 : i32 to vector<16xi32>
      %parallel_loop3A_111 = tpu.vector_load_idx %arg10[%parallel_loop3A_110, %parallel_loop3A_99] : memref<8x2048xf32, #tpu.memory_space<vmem>>[vector<16xi32>, vector<16xi32>], vector<16xf32>,
      %parallel_loop3A_112 = arith.constant 4 : i32
      %parallel_loop3A_113 = vector.broadcast %parallel_loop3A_112 : i32 to vector<16xi32>
      %parallel_loop3A_114 = tpu.vector_load_idx %arg10[%parallel_loop3A_113, %parallel_loop3A_99] : memref<8x2048xf32, #tpu.memory_space<vmem>>[vector<16xi32>, vector<16xi32>], vector<16xf32>,
      %parallel_loop3A_115 = arith.constant 5 : i32
      %parallel_loop3A_116 = vector.broadcast %parallel_loop3A_115 : i32 to vector<16xi32>
      %parallel_loop3A_117 = tpu.vector_load_idx %arg10[%parallel_loop3A_116, %parallel_loop3A_99] : memref<8x2048xf32, #tpu.memory_space<vmem>>[vector<16xi32>, vector<16xi32>], vector<16xf32>,
      %parallel_loop3A_118 = arith.constant 6 : i32
      %parallel_loop3A_119 = vector.broadcast %parallel_loop3A_118 : i32 to vector<16xi32>
      %parallel_loop3A_120 = tpu.vector_load_idx %arg10[%parallel_loop3A_119, %parallel_loop3A_99] : memref<8x2048xf32, #tpu.memory_space<vmem>>[vector<16xi32>, vector<16xi32>], vector<16xf32>,
      %parallel_loop3A_121 = arith.constant 7 : i32
      %parallel_loop3A_122 = vector.broadcast %parallel_loop3A_121 : i32 to vector<16xi32>
      %parallel_loop3A_123 = tpu.vector_load_idx %arg10[%parallel_loop3A_122, %parallel_loop3A_99] : memref<8x2048xf32, #tpu.memory_space<vmem>>[vector<16xi32>, vector<16xi32>], vector<16xf32>,
      %parallel_loop3A_124 = arith.addf %parallel_loop3A_102, %parallel_loop3A_105 : vector<16xf32>
      %parallel_loop3A_125 = arith.addf %parallel_loop3A_108, %parallel_loop3A_111 : vector<16xf32>
      %parallel_loop3A_126 = arith.addf %parallel_loop3A_124, %parallel_loop3A_125 : vector<16xf32>
      %parallel_loop3A_127 = arith.addf %parallel_loop3A_114, %parallel_loop3A_117 : vector<16xf32>
      %parallel_loop3A_128 = arith.addf %parallel_loop3A_120, %parallel_loop3A_123 : vector<16xf32>
      %parallel_loop3A_129 = arith.addf %parallel_loop3A_127, %parallel_loop3A_128 : vector<16xf32>
      %parallel_loop3A_130 = arith.addf %parallel_loop3A_126, %parallel_loop3A_129 : vector<16xf32>
      %parallel_loop3A_131 = arith.addf %parallel_loop3A_94, %parallel_loop3A_130 : vector<16xf32>
      scf.yield %parallel_loop3A_131 : vector<16xf32>
    } {sc.loop_unroll_factor = 2 : i64, sc.parallel_access}
    %swap3A = arith.constant 0 : index
    %swap3A_78 = tpu.vector_load %arg15[%swap3A] {strides = array<i32>} : memref<16xf32, #tpu.memory_space<vmem>>, vector<16xf32>,
    tpu.vector_store %arg15[%swap3A], %parallel_loop3A_77 {strides = array<i32>} : memref<16xf32, #tpu.memory_space<vmem>>, vector<16xf32>,
    "tpu.region"() ({
      %run_scoped3A = tpu.sem_alloc : memref<!tpu.dma_semaphore, #tpu.memory_space<semaphore_mem>>
      %dma_start3A_93 = arith.constant 0 : i32
      %dma_start3A_94 = tpu.memref_slice %arg6[%add3A, %dma_start3A_93] : memref<64x16xf32, #tpu.memory_space<hbm>> -> memref<1x16xf32, #tpu.memory_space<hbm>>
      %dma_start3A_95 = tpu.memref_squeeze %dma_start3A_94 : memref<1x16xf32, #tpu.memory_space<hbm>> -> memref<16xf32, #tpu.memory_space<hbm>>
      %dma_start3A_96 = arith.constant 0 : i32
      %dma_start3A_97 = tpu.memref_slice %arg6[%add3A, %dma_start3A_96] : memref<64x16xf32, #tpu.memory_space<hbm>> -> memref<1x16xf32, #tpu.memory_space<hbm>>
      %dma_start3A_98 = tpu.memref_squeeze %dma_start3A_97 : memref<1x16xf32, #tpu.memory_space<hbm>> -> memref<16xf32, #tpu.memory_space<hbm>>
      tpu.enqueue_dma source(%arg15 : memref<16xf32, #tpu.memory_space<vmem>>) target(%dma_start3A_98 : memref<16xf32, #tpu.memory_space<hbm>>) target_semaphore(%run_scoped3A : memref<!tpu.dma_semaphore, #tpu.memory_space<semaphore_mem>>)
      %dma_wait3A_99 = arith.constant 0 : i32
      %dma_wait3A_100 = tpu.memref_slice %arg6[%add3A, %dma_wait3A_99] : memref<64x16xf32, #tpu.memory_space<hbm>> -> memref<1x16xf32, #tpu.memory_space<hbm>>
      %dma_wait3A_101 = tpu.memref_squeeze %dma_wait3A_100 : memref<1x16xf32, #tpu.memory_space<hbm>> -> memref<16xf32, #tpu.memory_space<hbm>>
      %dma_wait3A_102 = arith.constant 0 : i32
      %dma_wait3A_103 = tpu.memref_slice %arg6[%add3A, %dma_wait3A_102] : memref<64x16xf32, #tpu.memory_space<hbm>> -> memref<1x16xf32, #tpu.memory_space<hbm>>
      %dma_wait3A_104 = tpu.memref_squeeze %dma_wait3A_103 : memref<1x16xf32, #tpu.memory_space<hbm>> -> memref<16xf32, #tpu.memory_space<hbm>>
      tpu.wait_dma2 semaphore(%run_scoped3A : memref<!tpu.dma_semaphore, #tpu.memory_space<semaphore_mem>>) src(%arg15 : memref<16xf32, #tpu.memory_space<vmem>>) dst(%dma_wait3A_104 : memref<16xf32, #tpu.memory_space<hbm>>)
      tpu.yield
    }) : () -> ()
    "tpu.trace_stop"() : () -> ()
    "tpu.trace_start"() <{level = 10 : i32, message = "wait_b"}> : () -> ()
    %dma_wait3A_79 = arith.constant 0 : i32
    %dma_wait3A_80 = arith.constant 0 : i32
    %dma_wait3A_81 = tpu.memref_slice %arg2[%dma_wait3A_79, %dma_wait3A_80] : memref<98304x2048xf32, #tpu.memory_space<hbm>> -> memref<98304x2048xf32, #tpu.memory_space<hbm>>
    tpu.wait_indirect_dma semaphore(%arg17 : memref<!tpu.dma_semaphore, #tpu.memory_space<semaphore_mem>>) src(%dma_wait3A_81 : memref<98304x2048xf32, #tpu.memory_space<hbm>>) dst(%arg11 : memref<8x2048xf32, #tpu.memory_space<vmem>>)
    %parallel_loop3A_82 = arith.constant 0 : i32
    %parallel_loop3A_83 = arith.constant 64 : i32
    %parallel_loop3A_84 = arith.constant 1 : i32
    "tpu.trace_stop"() : () -> ()
    "tpu.trace_start"() <{level = 10 : i32, message = "loop_b"}> : () -> ()
    %parallel_loop3A_85 = scf.for %parallel_loop3A_93 = %parallel_loop3A_82 to %parallel_loop3A_83 step %parallel_loop3A_84 iter_args(%parallel_loop3A_94 = %broadcast_in_dim3A_72) -> (vector<16xf32>)  : i32 {
      %parallel_loop3A_95 = arith.constant 16 : i32
      %parallel_loop3A_96 = arith.muli %parallel_loop3A_93, %parallel_loop3A_95 : i32
      %parallel_loop3A_97 = tpu.assume_multiple %parallel_loop3A_96, 16 : i32
      %parallel_loop3A_98 = arith.index_cast %parallel_loop3A_97 : i32 to index
      %parallel_loop3A_99 = tpu.vector_load %arg12[%parallel_loop3A_98] {strides = array<i32>} : memref<1024xi32, #tpu.memory_space<vmem>>, vector<16xi32>,
      %parallel_loop3A_100 = arith.constant 0 : i32
      %parallel_loop3A_101 = vector.broadcast %parallel_loop3A_100 : i32 to vector<16xi32>
      %parallel_loop3A_102 = tpu.vector_load_idx %arg11[%parallel_loop3A_101, %parallel_loop3A_99] : memref<8x2048xf32, #tpu.memory_space<vmem>>[vector<16xi32>, vector<16xi32>], vector<16xf32>,
      %parallel_loop3A_103 = arith.constant 1 : i32
      %parallel_loop3A_104 = vector.broadcast %parallel_loop3A_103 : i32 to vector<16xi32>
      %parallel_loop3A_105 = tpu.vector_load_idx %arg11[%parallel_loop3A_104, %parallel_loop3A_99] : memref<8x2048xf32, #tpu.memory_space<vmem>>[vector<16xi32>, vector<16xi32>], vector<16xf32>,
      %parallel_loop3A_106 = arith.constant 2 : i32
      %parallel_loop3A_107 = vector.broadcast %parallel_loop3A_106 : i32 to vector<16xi32>
      %parallel_loop3A_108 = tpu.vector_load_idx %arg11[%parallel_loop3A_107, %parallel_loop3A_99] : memref<8x2048xf32, #tpu.memory_space<vmem>>[vector<16xi32>, vector<16xi32>], vector<16xf32>,
      %parallel_loop3A_109 = arith.constant 3 : i32
      %parallel_loop3A_110 = vector.broadcast %parallel_loop3A_109 : i32 to vector<16xi32>
      %parallel_loop3A_111 = tpu.vector_load_idx %arg11[%parallel_loop3A_110, %parallel_loop3A_99] : memref<8x2048xf32, #tpu.memory_space<vmem>>[vector<16xi32>, vector<16xi32>], vector<16xf32>,
      %parallel_loop3A_112 = arith.constant 4 : i32
      %parallel_loop3A_113 = vector.broadcast %parallel_loop3A_112 : i32 to vector<16xi32>
      %parallel_loop3A_114 = tpu.vector_load_idx %arg11[%parallel_loop3A_113, %parallel_loop3A_99] : memref<8x2048xf32, #tpu.memory_space<vmem>>[vector<16xi32>, vector<16xi32>], vector<16xf32>,
      %parallel_loop3A_115 = arith.index_cast %parallel_loop3A_97 : i32 to index
      %parallel_loop3A_116 = tpu.vector_load %arg13[%parallel_loop3A_115] {strides = array<i32>} : memref<1024xf32, #tpu.memory_space<vmem>>, vector<16xf32>,
      tpu.vector_store %arg13[%parallel_loop3A_115], %parallel_loop3A_114 {strides = array<i32>} : memref<1024xf32, #tpu.memory_space<vmem>>, vector<16xf32>,
      %parallel_loop3A_117 = arith.constant 5 : i32
      %parallel_loop3A_118 = vector.broadcast %parallel_loop3A_117 : i32 to vector<16xi32>
      %parallel_loop3A_119 = tpu.vector_load_idx %arg11[%parallel_loop3A_118, %parallel_loop3A_99] : memref<8x2048xf32, #tpu.memory_space<vmem>>[vector<16xi32>, vector<16xi32>], vector<16xf32>,
      %parallel_loop3A_120 = arith.index_cast %parallel_loop3A_97 : i32 to index
      %parallel_loop3A_121 = tpu.vector_load %arg14[%parallel_loop3A_120] {strides = array<i32>} : memref<1024xf32, #tpu.memory_space<vmem>>, vector<16xf32>,
      tpu.vector_store %arg14[%parallel_loop3A_120], %parallel_loop3A_119 {strides = array<i32>} : memref<1024xf32, #tpu.memory_space<vmem>>, vector<16xf32>,
      %parallel_loop3A_122 = arith.addf %parallel_loop3A_102, %parallel_loop3A_105 : vector<16xf32>
      %parallel_loop3A_123 = arith.addf %parallel_loop3A_108, %parallel_loop3A_111 : vector<16xf32>
      %parallel_loop3A_124 = arith.addf %parallel_loop3A_122, %parallel_loop3A_123 : vector<16xf32>
      %parallel_loop3A_125 = arith.addf %parallel_loop3A_94, %parallel_loop3A_124 : vector<16xf32>
      scf.yield %parallel_loop3A_125 : vector<16xf32>
    } {sc.loop_unroll_factor = 2 : i64, sc.parallel_access}
    %add3A_86 = arith.constant 32 : i32
    %add3A_87 = arith.addi %add3A_86, %add3A : i32
    %swap3A_88 = arith.constant 0 : index
    %swap3A_89 = tpu.vector_load %arg15[%swap3A_88] {strides = array<i32>} : memref<16xf32, #tpu.memory_space<vmem>>, vector<16xf32>,
    tpu.vector_store %arg15[%swap3A_88], %parallel_loop3A_85 {strides = array<i32>} : memref<16xf32, #tpu.memory_space<vmem>>, vector<16xf32>,
    "tpu.region"() ({
      %run_scoped3A = tpu.sem_alloc : memref<!tpu.dma_semaphore, #tpu.memory_space<semaphore_mem>>
      %dma_start3A_93 = arith.constant 0 : i32
      %dma_start3A_94 = tpu.memref_slice %arg6[%add3A_87, %dma_start3A_93] : memref<64x16xf32, #tpu.memory_space<hbm>> -> memref<1x16xf32, #tpu.memory_space<hbm>>
      %dma_start3A_95 = tpu.memref_squeeze %dma_start3A_94 : memref<1x16xf32, #tpu.memory_space<hbm>> -> memref<16xf32, #tpu.memory_space<hbm>>
      %dma_start3A_96 = arith.constant 0 : i32
      %dma_start3A_97 = tpu.memref_slice %arg6[%add3A_87, %dma_start3A_96] : memref<64x16xf32, #tpu.memory_space<hbm>> -> memref<1x16xf32, #tpu.memory_space<hbm>>
      %dma_start3A_98 = tpu.memref_squeeze %dma_start3A_97 : memref<1x16xf32, #tpu.memory_space<hbm>> -> memref<16xf32, #tpu.memory_space<hbm>>
      tpu.enqueue_dma source(%arg15 : memref<16xf32, #tpu.memory_space<vmem>>) target(%dma_start3A_98 : memref<16xf32, #tpu.memory_space<hbm>>) target_semaphore(%run_scoped3A : memref<!tpu.dma_semaphore, #tpu.memory_space<semaphore_mem>>)
      %dma_wait3A_99 = arith.constant 0 : i32
      %dma_wait3A_100 = tpu.memref_slice %arg6[%add3A_87, %dma_wait3A_99] : memref<64x16xf32, #tpu.memory_space<hbm>> -> memref<1x16xf32, #tpu.memory_space<hbm>>
      %dma_wait3A_101 = tpu.memref_squeeze %dma_wait3A_100 : memref<1x16xf32, #tpu.memory_space<hbm>> -> memref<16xf32, #tpu.memory_space<hbm>>
      %dma_wait3A_102 = arith.constant 0 : i32
      %dma_wait3A_103 = tpu.memref_slice %arg6[%add3A_87, %dma_wait3A_102] : memref<64x16xf32, #tpu.memory_space<hbm>> -> memref<1x16xf32, #tpu.memory_space<hbm>>
      %dma_wait3A_104 = tpu.memref_squeeze %dma_wait3A_103 : memref<1x16xf32, #tpu.memory_space<hbm>> -> memref<16xf32, #tpu.memory_space<hbm>>
      tpu.wait_dma2 semaphore(%run_scoped3A : memref<!tpu.dma_semaphore, #tpu.memory_space<semaphore_mem>>) src(%arg15 : memref<16xf32, #tpu.memory_space<vmem>>) dst(%dma_wait3A_104 : memref<16xf32, #tpu.memory_space<hbm>>)
      tpu.yield
    }) : () -> ()
    "tpu.region"() ({
      %run_scoped3A = tpu.sem_alloc : memref<!tpu.dma_semaphore, #tpu.memory_space<semaphore_mem>>
      %dma_start3A_93 = arith.constant 0 : i32
      %dma_start3A_94 = tpu.memref_slice %arg5[%add3A, %dma_start3A_93] : memref<48x1024xf32, #tpu.memory_space<hbm>> -> memref<1x1024xf32, #tpu.memory_space<hbm>>
      %dma_start3A_95 = tpu.memref_squeeze %dma_start3A_94 : memref<1x1024xf32, #tpu.memory_space<hbm>> -> memref<1024xf32, #tpu.memory_space<hbm>>
      %dma_start3A_96 = arith.constant 0 : i32
      %dma_start3A_97 = tpu.memref_slice %arg5[%add3A, %dma_start3A_96] : memref<48x1024xf32, #tpu.memory_space<hbm>> -> memref<1x1024xf32, #tpu.memory_space<hbm>>
      %dma_start3A_98 = tpu.memref_squeeze %dma_start3A_97 : memref<1x1024xf32, #tpu.memory_space<hbm>> -> memref<1024xf32, #tpu.memory_space<hbm>>
      tpu.enqueue_dma source(%arg13 : memref<1024xf32, #tpu.memory_space<vmem>>) target(%dma_start3A_98 : memref<1024xf32, #tpu.memory_space<hbm>>) target_semaphore(%run_scoped3A : memref<!tpu.dma_semaphore, #tpu.memory_space<semaphore_mem>>)
      %dma_wait3A_99 = arith.constant 0 : i32
      %dma_wait3A_100 = tpu.memref_slice %arg5[%add3A, %dma_wait3A_99] : memref<48x1024xf32, #tpu.memory_space<hbm>> -> memref<1x1024xf32, #tpu.memory_space<hbm>>
      %dma_wait3A_101 = tpu.memref_squeeze %dma_wait3A_100 : memref<1x1024xf32, #tpu.memory_space<hbm>> -> memref<1024xf32, #tpu.memory_space<hbm>>
      %dma_wait3A_102 = arith.constant 0 : i32
      %dma_wait3A_103 = tpu.memref_slice %arg5[%add3A, %dma_wait3A_102] : memref<48x1024xf32, #tpu.memory_space<hbm>> -> memref<1x1024xf32, #tpu.memory_space<hbm>>
      %dma_wait3A_104 = tpu.memref_squeeze %dma_wait3A_103 : memref<1x1024xf32, #tpu.memory_space<hbm>> -> memref<1024xf32, #tpu.memory_space<hbm>>
      tpu.wait_dma2 semaphore(%run_scoped3A : memref<!tpu.dma_semaphore, #tpu.memory_space<semaphore_mem>>) src(%arg13 : memref<1024xf32, #tpu.memory_space<vmem>>) dst(%dma_wait3A_104 : memref<1024xf32, #tpu.memory_space<hbm>>)
      tpu.yield
    }) : () -> ()
    %ge3A_90 = arith.constant 16 : i32
    "tpu.trace_stop"() : () -> ()
    %ge3A_91 = arith.cmpi sge, %add3A, %ge3A_90 : i32
    %convert_element_type3A = arith.extui %ge3A_91 : i1 to i32
    %cond3A = arith.constant 0 : i32
    %cond3A_92 = arith.cmpi ne, %convert_element_type3A, %cond3A : i32
    scf.if %cond3A_92 {
      %add3A_93 = arith.constant 32 : i32
      %add3A_94 = arith.addi %add3A_93, %add3A : i32
      %sub3A_95 = arith.constant 16 : i32
      %sub3A_96 = arith.subi %add3A_94, %sub3A_95 : i32
      "tpu.region"() ({
        %run_scoped3A = tpu.sem_alloc : memref<!tpu.dma_semaphore, #tpu.memory_space<semaphore_mem>>
        %dma_start3A_97 = arith.constant 0 : i32
        %dma_start3A_98 = tpu.memref_slice %arg5[%sub3A_96, %dma_start3A_97] : memref<48x1024xf32, #tpu.memory_space<hbm>> -> memref<1x1024xf32, #tpu.memory_space<hbm>>
        %dma_start3A_99 = tpu.memref_squeeze %dma_start3A_98 : memref<1x1024xf32, #tpu.memory_space<hbm>> -> memref<1024xf32, #tpu.memory_space<hbm>>
        %dma_start3A_100 = arith.constant 0 : i32
        %dma_start3A_101 = tpu.memref_slice %arg5[%sub3A_96, %dma_start3A_100] : memref<48x1024xf32, #tpu.memory_space<hbm>> -> memref<1x1024xf32, #tpu.memory_space<hbm>>
        %dma_start3A_102 = tpu.memref_squeeze %dma_start3A_101 : memref<1x1024xf32, #tpu.memory_space<hbm>> -> memref<1024xf32, #tpu.memory_space<hbm>>
        tpu.enqueue_dma source(%arg14 : memref<1024xf32, #tpu.memory_space<vmem>>) target(%dma_start3A_102 : memref<1024xf32, #tpu.memory_space<hbm>>) target_semaphore(%run_scoped3A : memref<!tpu.dma_semaphore, #tpu.memory_space<semaphore_mem>>)
        %dma_wait3A_103 = arith.constant 0 : i32
        %dma_wait3A_104 = tpu.memref_slice %arg5[%sub3A_96, %dma_wait3A_103] : memref<48x1024xf32, #tpu.memory_space<hbm>> -> memref<1x1024xf32, #tpu.memory_space<hbm>>
        %dma_wait3A_105 = tpu.memref_squeeze %dma_wait3A_104 : memref<1x1024xf32, #tpu.memory_space<hbm>> -> memref<1024xf32, #tpu.memory_space<hbm>>
        %dma_wait3A_106 = arith.constant 0 : i32
        %dma_wait3A_107 = tpu.memref_slice %arg5[%sub3A_96, %dma_wait3A_106] : memref<48x1024xf32, #tpu.memory_space<hbm>> -> memref<1x1024xf32, #tpu.memory_space<hbm>>
        %dma_wait3A_108 = tpu.memref_squeeze %dma_wait3A_107 : memref<1x1024xf32, #tpu.memory_space<hbm>> -> memref<1024xf32, #tpu.memory_space<hbm>>
        tpu.wait_dma2 semaphore(%run_scoped3A : memref<!tpu.dma_semaphore, #tpu.memory_space<semaphore_mem>>) src(%arg14 : memref<1024xf32, #tpu.memory_space<vmem>>) dst(%dma_wait3A_108 : memref<1024xf32, #tpu.memory_space<hbm>>)
        tpu.yield
      }) : () -> ()
    } else {
    }
    return
  }
}

module attributes {stable_mosaic.version = 14 : i64} {
  func.func @_combine_body(%arg0: memref<64x16xf32, #tpu.memory_space<vmem>>, %arg1: memref<48x1024xf32, #tpu.memory_space<vmem>>, %arg2: memref<1x1024xf32, #tpu.memory_space<vmem>>, %arg3: memref<1x1024xf32, #tpu.memory_space<vmem>>, %arg4: memref<1x1xf32, #tpu.memory_space<vmem>>) attributes {dimension_semantics = [], scalar_prefetch = 0 : i64, scratch_operands = 0 : i64, tpu.core_type = #tpu.core_type<tc>} {
    %get3A = arith.constant 0 : index
    %get3A_0 = arith.constant 0 : index
    %get3A_1 = vector.load %arg1[%get3A, %get3A_0] : memref<48x1024xf32, #tpu.memory_space<vmem>>, vector<48x1024xf32>
    %get3A_2 = arith.constant 0 : index
    %get3A_3 = arith.constant 0 : index
    %get3A_4 = vector.load %arg0[%get3A_2, %get3A_3] : memref<64x16xf32, #tpu.memory_space<vmem>>, vector<64x16xf32>
    %reduce_sum3A = arith.constant dense<0.000000e+00> : vector<64xf32>
    %reduce_sum3A_5 = vector.multi_reduction <add>, %get3A_4, %reduce_sum3A [1] : vector<64x16xf32> to vector<64xf32>
    %broadcast_in_dim3A = vector.shape_cast %reduce_sum3A_5 : vector<64xf32> to vector<64x1xf32>
    %slice3A = vector.extract_strided_slice %broadcast_in_dim3A {offsets = [0, 0], sizes = [32, 1], strides = [1, 1]} : vector<64x1xf32> to vector<32x1xf32>
    %slice3A_6 = vector.extract_strided_slice %broadcast_in_dim3A {offsets = [32, 0], sizes = [16, 1], strides = [1, 1]} : vector<64x1xf32> to vector<16x1xf32>
    %slice3A_7 = vector.extract_strided_slice %broadcast_in_dim3A {offsets = [48, 0], sizes = [16, 1], strides = [1, 1]} : vector<64x1xf32> to vector<16x1xf32>
    %add3A = arith.addf %slice3A_6, %slice3A_7 : vector<16x1xf32>
    %concatenate3A = tpu.concatenate %slice3A, %add3A in 0 : vector<32x1xf32>, vector<16x1xf32> -> vector<48x1xf32>
    %reduce_max3A = vector.shape_cast %concatenate3A : vector<48x1xf32> to vector<1x48x1xf32>
    %reduce_max3A_8 = arith.constant dense<0xFF800000> : vector<1xf32>
    %reduce_max3A_9 = vector.multi_reduction <maximumf>, %reduce_max3A, %reduce_max3A_8 [1, 2] : vector<1x48x1xf32> to vector<1xf32>
    %reduce_max3A_10 = vector.shape_cast %reduce_max3A_9 : vector<1xf32> to vector<1x1x1xf32>
    %reduce_max3A_11 = vector.extract %reduce_max3A_10[0, 0, 0] : f32 from vector<1x1x1xf32>
    %sub3A = vector.broadcast %reduce_max3A_11 : f32 to vector<48x1xf32>
    %sub3A_12 = arith.subf %concatenate3A, %sub3A : vector<48x1xf32>
    %exp3A = math.exp %sub3A_12 : vector<48x1xf32>
    %reduce_sum3A_13 = vector.shape_cast %exp3A : vector<48x1xf32> to vector<1x48x1xf32>
    %reduce_sum3A_14 = arith.constant dense<0.000000e+00> : vector<1xf32>
    %reduce_sum3A_15 = vector.multi_reduction <add>, %reduce_sum3A_13, %reduce_sum3A_14 [1, 2] : vector<1x48x1xf32> to vector<1xf32>
    %reduce_sum3A_16 = vector.shape_cast %reduce_sum3A_15 : vector<1xf32> to vector<1x1x1xf32>
    %reduce_sum3A_17 = vector.extract %reduce_sum3A_16[0, 0, 0] : f32 from vector<1x1x1xf32>
    %div3A = vector.broadcast %reduce_sum3A_17 : f32 to vector<48x1xf32>
    %div3A_18 = arith.divf %exp3A, %div3A : vector<48x1xf32>
    %iota3A = tpu.iota {dimensions = array<i32: 0>} : vector<48x48xi32>
    %iota3A_19 = tpu.iota {dimensions = array<i32: 1>} : vector<48x48xi32>
    %eq3A = arith.cmpi eq, %iota3A, %iota3A_19 : vector<48x48xi32>
    %convert_element_type3A = arith.extui %eq3A : vector<48x48xi1> to vector<48x48xi32>
    %convert_element_type3A_20 = arith.sitofp %convert_element_type3A : vector<48x48xi32> to vector<48x48xf32>
    %broadcast_in_dim3A_21 = arith.constant 1.000000e+00 : f32
    %broadcast_in_dim3A_22 = vector.broadcast %broadcast_in_dim3A_21 : f32 to vector<1x48xf32>
    %reduce_sum3A_23 = arith.constant dense<0.000000e+00> : vector<48xf32>
    %reduce_sum3A_24 = vector.multi_reduction <add>, %get3A_1, %reduce_sum3A_23 [1] : vector<48x1024xf32> to vector<48xf32>
    %broadcast_in_dim3A_25 = vector.shape_cast %reduce_sum3A_24 : vector<48xf32> to vector<48x1xf32>
    %mul3A = vector.broadcast %broadcast_in_dim3A_25 : vector<48x1xf32> to vector<48x48xf32>
    %mul3A_26 = arith.mulf %mul3A, %convert_element_type3A_20 : vector<48x48xf32>
    %dot_general3A = arith.constant dense<0.000000e+00> : vector<1x48xf32>
    %dot_general3A_27 = tpu.matmul %broadcast_in_dim3A_22, %mul3A_26, %dot_general3A {dimension_numbers = #tpu.dot_dimension_numbers<[1], [0], [0], [1], [0, 0, 1, 1], [], []>, precision = #tpu.contract_precision<fp32>, transpose_lhs_hint = false} : vector<1x48xf32>, vector<48x48xf32>, vector<1x48xf32> -> vector<1x48xf32>
    %gt3A = vector.broadcast %dot_general3A_27 : vector<1x48xf32> to vector<48x48xf32>
    %gt3A_28 = vector.broadcast %broadcast_in_dim3A_25 : vector<48x1xf32> to vector<48x48xf32>
    %gt3A_29 = arith.cmpf ogt, %gt3A, %gt3A_28 : vector<48x48xf32>
    %eq3A_30 = vector.broadcast %dot_general3A_27 : vector<1x48xf32> to vector<48x48xf32>
    %eq3A_31 = vector.broadcast %broadcast_in_dim3A_25 : vector<48x1xf32> to vector<48x48xf32>
    %eq3A_32 = arith.cmpf oeq, %eq3A_30, %eq3A_31 : vector<48x48xf32>
    %lt3A = arith.cmpi slt, %iota3A_19, %iota3A : vector<48x48xi32>
    %and3A = arith.andi %eq3A_32, %lt3A : vector<48x48xi1>
    %or3A = arith.ori %gt3A_29, %and3A : vector<48x48xi1>
    %convert_element_type3A_33 = arith.extui %or3A : vector<48x48xi1> to vector<48x48xi32>
    %convert_element_type3A_34 = arith.sitofp %convert_element_type3A_33 : vector<48x48xi32> to vector<48x48xf32>
    %reduce_sum3A_35 = arith.constant dense<0.000000e+00> : vector<48xf32>
    %reduce_sum3A_36 = vector.multi_reduction <add>, %convert_element_type3A_34, %reduce_sum3A_35 [1] : vector<48x48xf32> to vector<48xf32>
    %broadcast_in_dim3A_37 = vector.shape_cast %reduce_sum3A_36 : vector<48xf32> to vector<48x1xf32>
    %mul3A_38 = vector.broadcast %div3A_18 : vector<48x1xf32> to vector<48x48xf32>
    %mul3A_39 = arith.mulf %mul3A_38, %convert_element_type3A_20 : vector<48x48xf32>
    %dot_general3A_40 = arith.constant dense<0.000000e+00> : vector<1x48xf32>
    %dot_general3A_41 = tpu.matmul %broadcast_in_dim3A_22, %mul3A_39, %dot_general3A_40 {dimension_numbers = #tpu.dot_dimension_numbers<[1], [0], [0], [1], [0, 0, 1, 1], [], []>, precision = #tpu.contract_precision<fp32>, transpose_lhs_hint = false} : vector<1x48xf32>, vector<48x48xf32>, vector<1x48xf32> -> vector<1x48xf32>
    %convert_element_type3A_42 = arith.sitofp %iota3A_19 : vector<48x48xi32> to vector<48x48xf32>
    %eq3A_43 = vector.broadcast %broadcast_in_dim3A_37 : vector<48x1xf32> to vector<48x48xf32>
    %eq3A_44 = arith.cmpf oeq, %eq3A_43, %convert_element_type3A_42 : vector<48x48xf32>
    %jit3A = arith.constant 0.000000e+00 : f32
    %broadcast_in_dim3A_45 = vector.shape_cast %dot_general3A_41 : vector<1x48xf32> to vector<1x48xf32>
    %broadcast_in_dim3A_46 = vector.broadcast %broadcast_in_dim3A_45 : vector<1x48xf32> to vector<48x48xf32>
    %broadcast_in_dim3A_47 = vector.broadcast %jit3A : f32 to vector<48x48xf32>
    %select_n3A = arith.select %eq3A_44, %broadcast_in_dim3A_46, %broadcast_in_dim3A_47 : vector<48x48xi1>, vector<48x48xf32>
    %reduce_sum3A_48 = arith.constant dense<0.000000e+00> : vector<48xf32>
    %reduce_sum3A_49 = vector.multi_reduction <add>, %select_n3A, %reduce_sum3A_48 [1] : vector<48x48xf32> to vector<48xf32>
    %broadcast_in_dim3A_50 = vector.shape_cast %reduce_sum3A_49 : vector<48xf32> to vector<48x1xf32>
    %mul3A_51 = vector.broadcast %broadcast_in_dim3A_50 : vector<48x1xf32> to vector<48x1024xf32>
    %mul3A_52 = arith.mulf %mul3A_51, %get3A_1 : vector<48x1024xf32>
    %reduce_sum3A_53 = arith.constant dense<0.000000e+00> : vector<1024xf32>
    %reduce_sum3A_54 = vector.multi_reduction <add>, %mul3A_52, %reduce_sum3A_53 [0] : vector<48x1024xf32> to vector<1024xf32>
    %broadcast_in_dim3A_55 = vector.shape_cast %reduce_sum3A_54 : vector<1024xf32> to vector<1x1024xf32>
    %reduce_sum3A_56 = vector.shape_cast %broadcast_in_dim3A_55 : vector<1x1024xf32> to vector<1x1x1024xf32>
    %reduce_sum3A_57 = arith.constant dense<0.000000e+00> : vector<1xf32>
    %reduce_sum3A_58 = vector.multi_reduction <add>, %reduce_sum3A_56, %reduce_sum3A_57 [1, 2] : vector<1x1x1024xf32> to vector<1xf32>
    %reduce_sum3A_59 = vector.shape_cast %reduce_sum3A_58 : vector<1xf32> to vector<1x1x1xf32>
    %reduce_sum3A_60 = vector.extract %reduce_sum3A_59[0, 0, 0] : f32 from vector<1x1x1xf32>
    %add3A_61 = arith.constant 9.99999993E-9 : f32
    %add3A_62 = arith.addf %reduce_sum3A_60, %add3A_61 : f32
    %div3A_63 = vector.broadcast %add3A_62 : f32 to vector<1x1024xf32>
    %div3A_64 = arith.divf %broadcast_in_dim3A_55, %div3A_63 : vector<1x1024xf32>
    %get3A_65 = arith.constant 0 : index
    %get3A_66 = arith.constant 0 : index
    %get3A_67 = vector.load %arg2[%get3A_65, %get3A_66] : memref<1x1024xf32, #tpu.memory_space<vmem>>, vector<1x1024xf32>
    %reduce_sum3A_68 = vector.shape_cast %get3A_67 : vector<1x1024xf32> to vector<1x1x1024xf32>
    %reduce_sum3A_69 = arith.constant dense<0.000000e+00> : vector<1xf32>
    %reduce_sum3A_70 = vector.multi_reduction <add>, %reduce_sum3A_68, %reduce_sum3A_69 [1, 2] : vector<1x1x1024xf32> to vector<1xf32>
    %reduce_sum3A_71 = vector.shape_cast %reduce_sum3A_70 : vector<1xf32> to vector<1x1x1xf32>
    %reduce_sum3A_72 = vector.extract %reduce_sum3A_71[0, 0, 0] : f32 from vector<1x1x1xf32>
    %add3A_73 = arith.constant 9.99999993E-9 : f32
    %add3A_74 = arith.addf %reduce_sum3A_72, %add3A_73 : f32
    %div3A_75 = vector.broadcast %add3A_74 : f32 to vector<1x1024xf32>
    %div3A_76 = arith.divf %get3A_67, %div3A_75 : vector<1x1024xf32>
    %log3A = math.log %div3A_64 : vector<1x1024xf32>
    %gt3A_77 = arith.constant 0.000000e+00 : f32
    %gt3A_78 = vector.broadcast %gt3A_77 : f32 to vector<1x1024xf32>
    %gt3A_79 = arith.cmpf ogt, %div3A_76, %gt3A_78 : vector<1x1024xf32>
    %jit3A_80 = arith.constant 1.000000e+00 : f32
    %broadcast_in_dim3A_81 = vector.broadcast %jit3A_80 : f32 to vector<1x1024xf32>
    %select_n3A_82 = arith.select %gt3A_79, %div3A_76, %broadcast_in_dim3A_81 : vector<1x1024xi1>, vector<1x1024xf32>
    %gt3A_83 = arith.constant 0.000000e+00 : f32
    %gt3A_84 = vector.broadcast %gt3A_83 : f32 to vector<1x1024xf32>
    %gt3A_85 = arith.cmpf ogt, %div3A_76, %gt3A_84 : vector<1x1024xf32>
    %log3A_86 = math.log %select_n3A_82 : vector<1x1024xf32>
    %sub3A_87 = arith.subf %log3A_86, %log3A : vector<1x1024xf32>
    %mul3A_88 = arith.mulf %div3A_76, %sub3A_87 : vector<1x1024xf32>
    %jit3A_89 = arith.constant 0.000000e+00 : f32
    %broadcast_in_dim3A_90 = vector.broadcast %jit3A_89 : f32 to vector<1x1024xf32>
    %select_n3A_91 = arith.select %gt3A_85, %mul3A_88, %broadcast_in_dim3A_90 : vector<1x1024xi1>, vector<1x1024xf32>
    %swap3A = arith.constant 0 : index
    %swap3A_92 = arith.constant 0 : index
    %swap3A_93 = vector.load %arg3[%swap3A, %swap3A_92] : memref<1x1024xf32, #tpu.memory_space<vmem>>, vector<1x1024xf32>
    tpu.vector_store %arg3[%swap3A, %swap3A_92], %div3A_64 {strides = array<i32>} : memref<1x1024xf32, #tpu.memory_space<vmem>>, vector<1x1024xf32>,
    %reduce_sum3A_94 = vector.shape_cast %select_n3A_91 : vector<1x1024xf32> to vector<1x1x1024xf32>
    %reduce_sum3A_95 = arith.constant dense<0.000000e+00> : vector<1xf32>
    %reduce_sum3A_96 = vector.multi_reduction <add>, %reduce_sum3A_94, %reduce_sum3A_95 [1, 2] : vector<1x1x1024xf32> to vector<1xf32>
    %reduce_sum3A_97 = vector.shape_cast %reduce_sum3A_96 : vector<1xf32> to vector<1x1x1xf32>
    %reduce_sum3A_98 = vector.extract %reduce_sum3A_97[0, 0, 0] : f32 from vector<1x1x1xf32>
    %broadcast_in_dim3A_99 = vector.broadcast %reduce_sum3A_98 : f32 to vector<1x1xf32>
    %swap3A_100 = arith.constant 0 : index
    %swap3A_101 = arith.constant 0 : index
    %swap3A_102 = vector.load %arg4[%swap3A_100, %swap3A_101] : memref<1x1xf32, #tpu.memory_space<vmem>>, vector<1x1xf32>
    tpu.vector_store %arg4[%swap3A_100, %swap3A_101], %broadcast_in_dim3A_99 {strides = array<i32>} : memref<1x1xf32, #tpu.memory_space<vmem>>, vector<1x1xf32>,
    return
  }
}

</mosaic_0001>

<sc_bundles>
// kernel: kernel.4.cloned.1.call-start
scs
__scs_entry_jumppad:
0x0: {  	(pc) =	sbr.rel $0x88, $3  }
0x1: {  	(tag) =	ssettag $0x0;
	lr =	simm.s32 $0x1  }
0x2: {  	[smem:$0x3F9D] =	sst lr;
	_ =	strace $0xD0000000  }
0x3: {  	_ = 	snop  }
0x4: {  	_ = 	snop  }
0x5: {  	_ = 	snop  }
0x6: {  	_ = 	snop  }
0x7: {  	_ = 	snop  }
__scs_overlays_trampoline_lowered:
0x8: {  	[smem:$0x3FAC] =	sst s0  }
0x9: {  	[smem:$0x3FAD] =	sst s1  }
0xa: {  	[smem:$0x3FAE] =	sst s2  }
0xb: {  	[smem:$0x3FAF] =	sst s3  }
0xc: {  	[smem:$0x3FB0] =	sst s4  }
0xd: {  	[smem:$0x3FB1] =	sst s5  }
0xe: {  	[smem:$0x3FB2] =	sst s6  }
0xf: {  	[smem:$0x3FB3] =	sst s7  }
0x10: {  	[smem:$0x3FB4] =	sst s8  }
0x11: {  	[smem:$0x3FB5] =	sst s9;
	s0 =	simm.s32 @!p0 $0x0  }
0x12: {  	s1 =	sld [smem:$0x3F9B];
	s0 =	simm.s32 @p0 $0x1  }
0x13: {  	[smem:$0x3FB6] =	sst s0;
	s0 =	simm.s32 @!p1 $0x0  }
0x14: {  	s2 =	sld [smem:$0x3F9A];
	s0 =	simm.s32 @p1 $0x1  }
0x15: {  	[smem:$0x3FB7] =	sst s0;
	s0 =	simm.s32 @!p2 $0x0  }
0x16: {  	s3 =	sld [smem:$0x3FDB];
	s0 =	simm.s32 @p2 $0x1  }
0x17: {  	s4 =	simm.s32 $0x1BF5;
	[smem:$0x3FB9] =	sst s0  }
0x18: {  	s0 =	sld [smem:$0x3F9C];
	_ =	swait.ge [sflag:s4], $0x0  }
0x19: {  	s7 =	sld [smem:$0x3F9D]  }
0x1a: {  	s8 =	sadd.s32 $0xFFFFE003, lr  }
0x1b: {  	s9 =	sadd.s32 $0xFFFFFEF7, lr;
	s5 =	simm.s32 $0xFFFFFFFF;
	p2 =	slt.u32 s8, $0xFFFFF086  }
0x1c: {  	p1 =	slt.u32 s9, $0xF7A;
	s5 =	simm.s32 @!p2 $0x0  }
0x1d: {  	s5 =	simm.s32 @p1 $0x1;
	p0 =	seq.s32 s7, s2  }
0x1e: {  	s7 =	smul.u32 @!p0 $0xF7A, s2;
	p2 =	seq.s32 @!p0 s5, $0x0  }
0x1f: {  	s9 =	smul.u32 $0xF7A, s1;
	s8 =	simm.s32 @!p0 $0x1BF5;
	p2 =	por !p2, p0  }
0x20: {  	[sflag:s8] =	ssyncset.s32 @!p0 $0xFFFFF086;
	s6 =	sadd.s32 @!p0 s3, s7;
	s7 =	simm.s32 @!p0 $0x108  }
0x21: {  	s3 =	sadd.s32 s3, s9;
	s6 =	sadd.s32 @!p0 $0x88, s6;
	s7 =	simm.s32 @p2 $0x1082  }
0x22: {  	[simem:s7], [sflag:s8] =	dma.local @!p0 [hbm:s6], $0xF7A  }
0x23: {  	s9 =	sor.u32 $0xD0000000, s2;
	s6 =	simm.s32 $0x108;
	_ =	swait.ge @!p0 [sflag:s8], $0x0  }
0x24: {  	s3 =	sadd.s32 $0x88, s3;
	s6 =	simm.s32 @!p1 $0x1082;
	[sflag:s4] =	ssyncset.s32 $0xFFFFF086  }
0x25: {  	[simem:s6], [sflag:s4] =	dma.local [hbm:s3], $0xF7A  }
0x26: {  	[smem:$0x3F9D] =	sst s1;
	(tag) =	ssettag s2;
	_ =	strace s9  }
0x27: {  	s1 =	sld [smem:$0x3FAD]  }
0x28: {  	s2 =	sld [smem:$0x3FAE]  }
0x29: {  	s4 =	sld [smem:$0x3FB0]  }
0x2a: {  	p0 =	seq.s32 s5, $0x0;
	s5 =	sld [smem:$0x3FB1]  }
0x2b: {  	s6 =	sld [smem:$0x3FB2]  }
0x2c: {  	s7 =	sld [smem:$0x3FB3]  }
0x2d: {  	s3 =	simm.s32 $0x108;
	s8 =	sld [smem:$0x3FB4]  }
0x2e: {  	s3 =	simm.s32 @!p0 $0x1082;
	s9 =	sld [smem:$0x3FB5]  }
0x2f: {  	lr =	sadd.s32 s0, s3;
	s0 =	sld [smem:$0x3FAC]  }
0x30: {  	s3 =	sld [smem:$0x3FAF]  }
0x31: {  	[smem:$0x3FB8] =	sst s10  }
0x32: {  	s10 =	sld [smem:$0x3FB6];
	_ =	sdelay $0x3  }
0x33: {  	p0 =	seq.s32 s10, $0x1;
	s10 =	sld [smem:$0x3FB8];
	_ =	sdelay $0x3  }
0x34: {  	[smem:$0x3FB8] =	sst s10  }
0x35: {  	s10 =	sld [smem:$0x3FB7];
	_ =	sdelay $0x3  }
0x36: {  	p1 =	seq.s32 s10, $0x1;
	s10 =	sld [smem:$0x3FB8];
	_ =	sdelay $0x3  }
0x37: {  	[smem:$0x3FB8] =	sst s10  }
0x38: {  	s10 =	sld [smem:$0x3FB9]  }
0x39: {  	_ = 	snop;
	(pc) =	sbr.ind lr, $3  }
0x3a: {  	_ = 	snop  }
0x3b: {  	_ = 	snop  }
0x3c: {  	p2 =	seq.s32 s10, $0x1;
	s10 =	sld [smem:$0x3FB8]  }
0x3d: {  	_ =	shalt  }
0x3e: {  	_ =	shalt  }
0x3f: {  	_ =	shalt  }
0x40: {  	_ =	shalt  }
0x41: {  	_ =	shalt  }
0x42: {  	_ =	shalt  }
0x43: {  	_ =	shalt  }
0x44: {  	_ =	shalt  }
0x45: {  	_ =	shalt  }
0x46: {  	_ =	shalt  }
0x47: {  	_ =	shalt  }
0x48: {  	_ =	shalt  }
0x49: {  	_ =	shalt  }
0x4a: {  	_ =	shalt  }
0x4b: {  	_ =	shalt  }
0x4c: {  	_ =	shalt  }
0x4d: {  	_ =	shalt  }
0x4e: {  	_ =	shalt  }
0x4f: {  	_ =	shalt  }
0x50: {  	_ =	shalt  }
0x51: {  	_ =	shalt  }
0x52: {  	_ =	shalt  }
0x53: {  	_ =	shalt  }
0x54: {  	_ =	shalt  }
0x55: {  	_ =	shalt  }
0x56: {  	_ =	shalt  }
0x57: {  	_ =	shalt  }
0x58: {  	_ =	shalt  }
0x59: {  	_ =	shalt  }
0x5a: {  	_ =	shalt  }
0x5b: {  	_ =	shalt  }
0x5c: {  	_ =	shalt  }
0x5d: {  	_ =	shalt  }
0x5e: {  	_ =	shalt  }
0x5f: {  	_ =	shalt  }
0x60: {  	_ =	shalt  }
0x61: {  	_ =	shalt  }
0x62: {  	_ =	shalt  }
0x63: {  	_ =	shalt  }
0x64: {  	_ =	shalt  }
0x65: {  	_ =	shalt  }
0x66: {  	_ =	shalt  }
0x67: {  	_ =	shalt  }
0x68: {  	_ =	shalt  }
0x69: {  	_ =	shalt  }
0x6a: {  	_ =	shalt  }
0x6b: {  	_ =	shalt  }
0x6c: {  	_ =	shalt  }
0x6d: {  	_ =	shalt  }
0x6e: {  	_ =	shalt  }
0x6f: {  	_ =	shalt  }
0x70: {  	_ =	shalt  }
0x71: {  	_ =	shalt  }
0x72: {  	_ =	shalt  }
0x73: {  	_ =	shalt  }
0x74: {  	_ =	shalt  }
0x75: {  	_ =	shalt  }
0x76: {  	_ =	shalt  }
0x77: {  	_ =	shalt  }
0x78: {  	_ =	shalt  }
0x79: {  	_ =	shalt  }
0x7a: {  	_ =	shalt  }
0x7b: {  	_ =	shalt  }
0x7c: {  	_ =	shalt  }
0x7d: {  	_ =	shalt  }
0x7e: {  	_ =	shalt  }
0x7f: {  	_ =	shalt  }
0x80: {  	_ =	shalt  }
0x81: {  	_ =	shalt  }
0x82: {  	_ =	shalt  }
0x83: {  	_ =	shalt  }
0x84: {  	_ =	shalt  }
0x85: {  	_ =	shalt  }
0x86: {  	_ =	shalt  }
0x87: {  	_ =	shalt  }
.Lfunc_end0:
.L_simem_size_0:
called_computation_lowered:
.L_overlay_start_0:
0x88: {  	s2 =	sld [smem:$0x3FD9]  }
0x89: {  	s3 =	sld [smem:$0x3FFE];
	_ =	sdelay $0x1  }
0x8a: {  	s1 =	srdreg.scid  }
0x8b: {  	s0 =	sand.u32 $0x1, s1  }
0x8c: {  	s17 =	sshll.u32 s0, $0xA;
	s2 =	sadd.s32 s3, s2  }
0x8d: {  	s2 =	sadd.s32 s2, s17  }
0x8e: {  	[smem:$0x3FC4] =	sst s2  }
0x8f: {  	_ = 	snop  }
0x90: {  	s2 =	sld [smem:$0x3FC9]  }
0x91: {  	s18 =	sld [smem:$0x3FC8]  }
0x92: {  	s4 =	sld [smem:$0x3FC7];
	(tm) =	ssettm $0x1  }
0x93: {  	s5 =	sld [smem:$0x3FFB];
	_ =	sdelay $0x3  }
0x94: {  	_ =	strace s5  }
0x95: {  	s5 =	sld [smem:$0x3FFC];
	_ =	sdelay $0x3  }
0x96: {  	_ =	strace s5  }
0x97: {  	s5 =	sld [smem:$0x3FFD];
	_ =	sdelay $0x3  }
0x98: {  	_ =	strace s5  }
0x99: {  	_ =	strace $0x8FFFFFFF  }
0x9a: {  	s19 =	sld [smem:$0x3FDB];
	_ =	sdelay $0x1  }
0x9b: {  	s6 =	simm.s32 $_scs_section_size  }
0x9c: {  	s7 =	simm.s32 $_size__tile_overlayer_lowered;
	s8 =	simm.s32 $_tile_overlayer_lowered  }
0x9d: {  	s22 =	simm.s32 $0x1BFF;
	s21 =	sshll.u32 s8, $0x1;
	s5 =	sadd.s32 s6, s19  }
0x9e: {  	s9 =	simm.s32 $0x0;
	s20 =	sshll.u32 s7, $0x1;
	s7 =	sadd.s32 s21, s5  }
0x9f: {  	[timem:s9], [sflag:s22] =	dma.local [hbm:s7], s20  }
0xa0: {  	_ =	swait.ge [sflag:s22], s20  }
0xa1: {  	s6 =	ssub.s32 $0x0, s20;
	[sflag:s22] =	ssyncset.done $0x0  }
0xa2: {  	[sflag:s22] =	ssyncadd.s32 s6;
	_ =	sdelay $0x1  }
0xa3: {  	s23 =	simm.s32 $0x1B8B  }
0xa4: {  	_ =	swait.ge [sflag:s23], $0x1  }
0xa5: {  	[sflag:s23] =	ssyncset.done $0x0  }
0xa6: {  	s25 =	simm.s32 $0x1B8E;
	s24 =	sld [smem:$0x3FFE];
	[sflag:s23] =	ssyncadd.s32 $0xFFFFFFFF  }
0xa7: {  	s26 =	simm.s32 $execute0_lowered;
	[smem:$0x3FD2] =	sst s25  }
0xa8: {  	s7 =	sshll.u32 s26, $0x1;
	_ =	strace $0x80000046;
	[dreg:$0x1] =	wrdreg $0xFFFFFFFF  }
0xa9: {  	s28 =	simm.s32 $_size_execute0_lowered;
	s5 =	sadd.s32 s5, s7;
	[dreg:$0x0] =	wrdreg $0x0  }
0xaa: {  	s7 =	sshll.u32 s28, $0x1;
	[dreg:$0x2] =	wrdreg s5  }
0xab: {  	[dreg:$0x3] =	wrdreg s7  }
0xac: {  	[dreg:$0x4] =	wrdreg $0xC0  }
0xad: {  	_ =	task [dreg:s9], $0x5FFFF  }
0xae: {  	[dreg:$0x1] =	wrdreg $0xFFFFFFFF  }
0xaf: {  	[dreg:$0x0] =	wrdreg $0x60  }
0xb0: {  	[dreg:$0x2] =	wrdreg s18  }
0xb1: {  	[dreg:$0x3] =	wrdreg s4  }
0xb2: {  	[dreg:$0x4] =	wrdreg s2  }
0xb3: {  	[dreg:$0x5] =	wrdreg s24  }
0xb4: {  	[dreg:$0x6] =	wrdreg $0x9  }
0xb5: {  	_ =	task.clear_ibuf [dreg:s9], $0x7FFFF;
	_ =	strace $0x90000046  }
0xb6: {  	s29 =	simm.s32 $0x9;
	_ =	strace $0x8000004C  }
0xb7: {  	_ =	swait.ge [sflag:s29], $0x1  }
0xb8: {  	[sflag:s29] =	ssyncadd.s32 $0xFFFFFFFF  }
0xb9: {  	_ =	strace $0x9000004C  }
0xba: {  	_ =	sfence  }
0xbb: {  	s30 =	sld [smem:$0x0];
	_ =	sdelay $0x2  }
0xbc: {  	s31 =	sshll.u32 s1, $0xD;
	s1 =	sshrl.u32 s1, $0x2  }
0xbd: {  	s3 =	sand.u32 $0x4000, s31;
	s1 =	sadd.s32 s1, s30  }
0xbe: {  	s0 =	sor.u32 s3, s0;
	s1 =	sshll.u32 s1, $0x11  }
0xbf: {  	s0 =	sor.u32 s1, s0  }
0xc0: {  	s0 =	sadd.s32 $0x8F2B, s0  }
0xc1: {  	[sflag:s0] =	ssyncadd.remote.s32 $0x1  }
0xc2: {  	_ =	sfence.sel $0xFFFF  }
0xc3: {  	[dreg:$0x0] =	wrdreg $0xFFFFFFFF;
	(pc) =	sbr.abs _section_cstart, $3  }
0xc4: {  	[dreg:$0x1] =	wrdreg $0xFFFFFFFF  }
0xc5: {  	_ =	task.clear_ibuf [dreg:s9], $0x2FFFF;
	_ =	strace $0x9FFFFFFF  }
0xc6: {  	(tm) =	ssettm $0x7FFFFFFF  }
0xc7: {  	_ =	shalt  }
tec
execute0_lowered:
.L_overlay_start_1:
0x0: {  	(tag) =	ssettag $0x1  }
0x1: {  	s1 =	rddreg [dreg:$0x0]  }
0x2: {  	s0 =	rddreg [dreg:$0x3];
	s5 =	simm.s32 $0x0  }
0x3: {  	s2 =	srdreg.scid;
	s22 =	stileid.u32;
	s14 =	simm.s32 $0x4  }
0x4: {  	s30 =	simm.s32 $0x4180;
	s28 =	simm.s32 $0x400;
	s29 =	simm.s32 $0x8580  }
0x5: {  	s31 =	simm.s32 $0x0;
	[smem:$0x7FF] =	sst s5;
	s2 =	sand.u32 $0x1, s2  }
0x6: {  	s4 =	sshll.u32 s22, $0x1;
	s16 =	sadd.s32 $0x1000, s0;
	s0 =	sadd.s32 $0x2800, s0  }
0x7: {  	p0 =	sgt.u32 s22, $0x7;
	s7 =	sadd.s32 $0x200, s1;
	s15 =	sshrl.u32 s22, $0x2  }
0x8: {  	s8 =	sadd.s32 $0x300, s1;
	s9 =	sadd.s32 $0x400, s1;
	s10 =	sadd.s32 $0x500, s1  }
0x9: {  	v0 =	vimm.s32 $0x3020100;
	s19 =	sshll.u32 s22, $0xB;
	_ =	strace $0x80000047;
	s3 =	ssub.s32 $0x2, s2  }
0xa: {  	v0 =	vunpack.c.0.s8.s32 v0;
	s2 =	sor.u32 s2, s4;
	s14 =	simm.s32 @!p0 $0x0;
	s11 =	sshll.u32 s15, $0xA  }
0xb: {  	s15 =	sshll.u32 s15, $0xD;
	p0 =	slt.u32 s22, $0x8;
	s22 =	simm.s32 $0x7980  }
0xc: {  	vm0 =	vcmask $0x2F20;
	s6 =	sshrl.u32 s3, $0x1;
	s4 =	sshll.u32 s2, $0xB;
	s17 =	sshll.u32 s2, $0x7;
	v0 =	vor.u32 s14, v0  }
0xd: {  	s2 =	sshll.u32 s2, $0x4;
	s3 =	ssub.s32 s3, s6;
	s21 =	sand.u32 $0x7800, s4;
	v1 =	vnsel vm0, $0x0, v0;
	v0 =	vimm.s32 $0xE40000  }
0xe: {  	vm1 =	vcmask $0x3330;
	vm2 =	vcmask $0x1F00;
	s6 =	sadd.s32 $0x100, s1;
	s18 =	sand.u32 $0x380, s17;
	s17 =	sor.u32 s17, s19;
	v0 =	vunpack.c.l.s2.s4 v0  }
0xf: {  	v4 =	vlaneseq.u32;
	v3 =	vimm.s32 $0x76543210;
	vm1 =	vmor vm2, vm1;
	s19 =	simm.s32 $0x80;
	s20 =	sor.u32 $0x10000, s21;
	s12 =	sor.u32 s11, s18  }
0x10: {  	v3 =	vunpack.c.l.s4.s8 v3;
	s11 =	sadd.s32 $0x600, s1;
	s17 =	sand.u32 $0x6380, s17;
	s23 =	sor.u32 s15, s18;
	v2 =	vmov s20;
	v5 =	vunpack.c.l.s4.s8 v0  }
0x11: {  	vm2 =	vmmov $0xffff;
	vm0 =	vmmov $0xff;
	s18 =	simm.s32 $0x3;
	s21 =	simm.s32 $0x180;
	s13 =	sshrl.u32 s12, $0x3;
	v0 =	vsel vm1, s4, v2  }
0x12: {  	s12 =	sadd.s32 $0x700, s1;
	s24 =	sadd.s32 $0x4000, s17;
	s25 =	sshrl.u32 s23, $0x3;
	v2 =	vunpack.c.0.s8.s32 v3;
	v3 =	vimm.s32 $0x7060504;
	v5 =	vunpack.c.0.s8.s32 v5  }
0x13: {  	v1 =	vsel vm0, v4, v1;
	s17 =	smax.u32 s3, $0x1;
	s20 =	simm.s32 $0x7180;
	s23 =	simm.s32 $0x8180;
	vm1 =	vcmask $0x2300;
	v3 =	vunpack.c.0.s8.s32 v3  }
0x14: {  	s13 =	sadd.s32 s0, s13;
	s0 =	sadd.s32 s2, s0;
	s26 =	sshrl.u32 s24, $0x3;
	v2 =	vnsel vm1, $0x0, v2;
	vm1 =	vcmask $0x3F30;
	v5 =	vand.u32 $0x3, v5  }
0x15: {  	vm0 =	vmmov $0xfff;
	s15 =	sadd.s32 s16, s25;
	s24 =	simm.s32 $0x1;
	s25 =	simm.s32 $0x8D80;
	v3 =	vsel vm1, v3, v5;
	v5 =	vshrl.u32 v4, $0x3  }
0x16: {  	s14 =	sadd.s32 $0x200, s0;
	s16 =	sadd.s32 s16, s26;
	s26 =	simm.s32 $0x2;
	vm1 =	vcmask $0x3F20;
	v4 =	vand.u32 $0x7, v4;
	v5 =	vmul.u32 $0x8, v5  }
.LBB2_1:
0x17: {  	s0 =	rddreg [dreg:$0x1]  }
0x18: {  	[tilespmem:s5], [sflag:$0x3] =	stream.linear.gather [hbm4b:s0+s5], $0x8, $0x38;
	[tilespmem:$0x8E00] =	vst v63  }
0x19: {  	_ =	swait.ge [sflag:s18], $0x8  }
0x1a: {  	[sflag:s18] =	ssyncset.done $0x0  }
0x1b: {  	[sflag:s18] =	ssyncadd.s32 $0xFFFFFFF8  }
0x1c: {  	v6 =	vld [tilespmem:$0x0];
	_ =	sdelay $0x4  }
0x1d: {  	v6 =	vperm.xlane v6, v1;
	_ =	sdelay $0x1  }
0x1e: {  	v6 =	vnsel vm0, $0x7FF, v6  }
0x1f: {  	v6 =	vadd.s32 v0, v6  }
0x20: {  	s2 =	simm.s32 $0x100;
	[tilespmem:v2+s19+$0x0] =	vst.idx.msk $0xff, v6  }
0x21: {  	[tilespmem:v3+s2+$0x0] =	vst.idx.msk vm1, v6  }
0x22: {  	v6 =	vld.msk [tilespmem:$0x80], $0xff;
	_ =	sdelay $0x4  }
0x23: {  	v7 =	vshll.u32 v6, $0x4  }
0x24: {  	v6 =	vand.u32 $0x7, v6;
	v7 =	vand.u32 $0xFFFFFF80, v7  }
0x25: {  	v6 =	vor.u32 v6, v7  }
0x26: {  	v6 =	vperm.xlane v6, v4;
	_ =	sdelay $0x1  }
0x27: {  	v6 =	vadd.s32 v5, v6;
	_ =	sdelay $0x4  }
0x28: {  	[tilespmem:s21], [sflag:$0x1] =	stream.indirect_vreg.gather [hbm4b:s1+s5], $0x80, v6, vm2, $0xb8;
	[tilespmem:$0x8E00] =	vst v63  }
0x29: {  	s3 =	simm.s32 $0x980  }
0x2a: {  	[tilespmem:s3], [sflag:$0x1] =	stream.indirect_vreg.gather [hbm4b:s6+s5], $0x80, v6, vm2, $0xb8;
	[tilespmem:$0x8E00] =	vst v63  }
0x2b: {  	s4 =	simm.s32 $0x1180  }
0x2c: {  	[tilespmem:s4], [sflag:$0x1] =	stream.indirect_vreg.gather [hbm4b:s7+s5], $0x80, v6, vm2, $0xb8;
	[tilespmem:$0x8E00] =	vst v63  }
0x2d: {  	s2 =	simm.s32 $0x1980  }
0x2e: {  	[tilespmem:s2], [sflag:$0x1] =	stream.indirect_vreg.gather [hbm4b:s8+s5], $0x80, v6, vm2, $0xb8;
	[tilespmem:$0x8E00] =	vst v63  }
0x2f: {  	s3 =	simm.s32 $0x2180  }
0x30: {  	[tilespmem:s3], [sflag:$0x1] =	stream.indirect_vreg.gather [hbm4b:s9+s5], $0x80, v6, vm2, $0xb8;
	[tilespmem:$0x8E00] =	vst v63  }
0x31: {  	s4 =	simm.s32 $0x2980  }
0x32: {  	[tilespmem:s4], [sflag:$0x1] =	stream.indirect_vreg.gather [hbm4b:s10+s5], $0x80, v6, vm2, $0xb8;
	[tilespmem:$0x8E00] =	vst v63  }
0x33: {  	s2 =	simm.s32 $0x3180  }
0x34: {  	[tilespmem:s2], [sflag:$0x1] =	stream.indirect_vreg.gather [hbm4b:s11+s5], $0x80, v6, vm2, $0xb8;
	[tilespmem:$0x8E00] =	vst v63  }
0x35: {  	s3 =	simm.s32 $0x3980  }
0x36: {  	[tilespmem:s3], [sflag:$0x1] =	stream.indirect_vreg.gather [hbm4b:s12+s5], $0x80, v6, vm2, $0xb8;
	[tilespmem:$0x8E00] =	vst v63  }
0x37: {  	v6 =	vld.msk [tilespmem:$0x100], $0xff;
	_ =	sdelay $0x4  }
0x38: {  	v7 =	vshll.u32 v6, $0x4  }
0x39: {  	v6 =	vand.u32 $0x7, v6;
	v7 =	vand.u32 $0xFFFFFF80, v7  }
0x3a: {  	v6 =	vor.u32 v6, v7  }
0x3b: {  	v6 =	vperm.xlane v6, v4;
	_ =	sdelay $0x1  }
0x3c: {  	v6 =	vadd.s32 v5, v6;
	_ =	sdelay $0x4  }
0x3d: {  	[tilespmem:s30], [sflag:$0x2] =	stream.indirect_vreg.gather [hbm4b:s1+s5], $0x80, v6, vm2, $0xb8;
	[tilespmem:$0x8E00] =	vst v63  }
0x3e: {  	s4 =	simm.s32 $0x4980  }
0x3f: {  	[tilespmem:s4], [sflag:$0x2] =	stream.indirect_vreg.gather [hbm4b:s6+s5], $0x80, v6, vm2, $0xb8;
	[tilespmem:$0x8E00] =	vst v63  }
0x40: {  	s2 =	simm.s32 $0x5180  }
0x41: {  	[tilespmem:s2], [sflag:$0x2] =	stream.indirect_vreg.gather [hbm4b:s7+s5], $0x80, v6, vm2, $0xb8;
	[tilespmem:$0x8E00] =	vst v63  }
0x42: {  	s3 =	simm.s32 $0x5980  }
0x43: {  	[tilespmem:s3], [sflag:$0x2] =	stream.indirect_vreg.gather [hbm4b:s8+s5], $0x80, v6, vm2, $0xb8;
	[tilespmem:$0x8E00] =	vst v63  }
0x44: {  	s4 =	simm.s32 $0x6180  }
0x45: {  	[tilespmem:s4], [sflag:$0x2] =	stream.indirect_vreg.gather [hbm4b:s9+s5], $0x80, v6, vm2, $0xb8;
	[tilespmem:$0x8E00] =	vst v63  }
0x46: {  	s2 =	simm.s32 $0x6980  }
0x47: {  	[tilespmem:s2], [sflag:$0x2] =	stream.indirect_vreg.gather [hbm4b:s10+s5], $0x80, v6, vm2, $0xb8;
	[tilespmem:$0x8E00] =	vst v63  }
0x48: {  	_ = 	snop  }
0x49: {  	[tilespmem:s20], [sflag:$0x2] =	stream.indirect_vreg.gather [hbm4b:s11+s5], $0x80, v6, vm2, $0xb8;
	[tilespmem:$0x8E00] =	vst v63  }
0x4a: {  	_ = 	snop  }
0x4b: {  	[tilespmem:s22], [sflag:$0x2] =	stream.indirect_vreg.gather [hbm4b:s12+s5], $0x80, v6, vm2, $0xb8;
	[tilespmem:$0x8E00] =	vst v63  }
0x4c: {  	s3 =	rddreg [dreg:$0x2]  }
0x4d: {  	[tilespmem:s23], [sflag:$0x3] =	stream.linear.gather [hbm4b:s3+s5], $0x400, $0x38;
	[tilespmem:$0x8E00] =	vst v63  }
0x4e: {  	_ =	swait.ge [sflag:s18], $0x400  }
0x4f: {  	[sflag:s18] =	ssyncset.done $0x0  }
0x50: {  	[sflag:s18] =	ssyncadd.s32 $0xFFFFFC00  }
0x51: {  	_ =	strace $0x80000048  }
0x52: {  	_ =	swait.ge [sflag:s24], $0x4000  }
0x53: {  	[sflag:s24] =	ssyncset.done $0x0  }
0x54: {  	[sflag:s24] =	ssyncadd.s32 $0xFFFFC000  }
0x55: {  	_ =	strace $0x90000048  }
0x56: {  	s4 =	simm.s32 $0x8190;
	_ =	strace $0x80000049  }
0x57: {  	v6 =	vld [tilespmem:s4+$0xFFFFFFF0];
	_ =	sdelay $0x4  }
0x58: {  	v7 =	vshll.u32 v6, $0x3  }
0x59: {  	v6 =	vand.u32 $0x7F, v6;
	v7 =	vand.u32 $0xFFFFFC00, v7  }
0x5a: {  	v7 =	vor.u32 v6, v7  }
0x5b: {  	v8 =	vld [tilespmem:s4+$0x0];
	v9 =	vor.u32 $0x80, v7  }
0x5c: {  	s0 =	simm.s32 $0x81B0;
	v10 =	vor.u32 $0x180, v7  }
0x5d: {  	v13 =	vld [tilespmem:s0+$0xFFFFFFF0];
	v11 =	vor.u32 $0x380, v7  }
0x5e: {  	v6 =	vld [tilespmem:s0+$0x0];
	v12 =	vor.u32 $0x280, v7  }
0x5f: {  	v14 =	vor.u32 $0x300, v7;
	v16 =	vld.idx.msk [tilespmem:v7+s21+$0x0], $0xffff  }
0x60: {  	v15 =	vor.u32 $0x100, v7;
	v17 =	vld.idx.msk [tilespmem:v9+s21+$0x0], $0xffff;
	v9 =	vshll.u32 v8, $0x3  }
0x61: {  	v7 =	vor.u32 $0x200, v7;
	v8 =	vand.u32 $0x7F, v8;
	v18 =	vld.idx.msk [tilespmem:v10+s21+$0x0], $0xffff;
	v9 =	vand.u32 $0xFFFFFC00, v9  }
0x62: {  	v19 =	vld.idx.msk [tilespmem:v11+s21+$0x0], $0xffff;
	v11 =	vor.u32 v8, v9  }
0x63: {  	v21 =	vld.idx.msk [tilespmem:v12+s21+$0x0], $0xffff;
	v9 =	vor.u32 $0x80, v11  }
0x64: {  	v14 =	vld.idx.msk [tilespmem:v14+s21+$0x0], $0xffff;
	v10 =	vor.u32 $0x100, v11  }
0x65: {  	v12 =	vld.idx.msk [tilespmem:v15+s21+$0x0], $0xffff;
	v20 =	vor.u32 $0x380, v11  }
0x66: {  	v22 =	vor.u32 $0x280, v11;
	v23 =	vld.idx.msk [tilespmem:v7+s21+$0x0], $0xffff  }
0x67: {  	v24 =	vor.u32 $0x300, v11;
	v8 =	vld.idx.msk [tilespmem:v11+s21+$0x0], $0xffff  }
0x68: {  	v25 =	vor.u32 $0x200, v11;
	v9 =	vld.idx.msk [tilespmem:v9+s21+$0x0], $0xffff  }
0x69: {  	v15 =	vor.u32 $0x180, v11;
	v10 =	vld.idx.msk [tilespmem:v10+s21+$0x0], $0xffff  }
0x6a: {  	v7 =	vimm.f32 $0.0e+00;
	v16 =	vadd.f32 v17, v16;
	v17 =	vshll.u32 v13, $0x3;
	v11 =	vld.idx.msk [tilespmem:v20+s21+$0x0], $0xffff  }
0x6b: {  	v13 =	vand.u32 $0x7F, v13;
	v18 =	vadd.f32 v18, v12;
	v20 =	vand.u32 $0xFFFFFC00, v17;
	v12 =	vld.idx.msk [tilespmem:v22+s21+$0x0], $0xffff  }
0x6c: {  	v17 =	vadd.f32 v19, v14;
	v14 =	vld.idx.msk [tilespmem:v24+s21+$0x0], $0xffff;
	v20 =	vor.u32 v13, v20;
	v19 =	vadd.f32 v21, v23  }
0x6d: {  	s4 =	simm.s32 $0x2;
	v18 =	vadd.f32 v18, v16;
	v16 =	vld.idx.msk [tilespmem:v25+s21+$0x0], $0xffff;
	v21 =	vor.u32 $0x80, v20;
	v13 =	vor.u32 $0x100, v20  }
.LBB2_2:
0x6e: {  	s4 =	sadd.s32 $0x2, s4;
	v22 =	vor.u32 $0x180, v20;
	v23 =	vor.u32 $0x200, v20;
	s0 =	sadd.s32 $0x20, s0;
	v17 =	vadd.f32 v17, v19;
	v15 =	vld.idx.msk [tilespmem:v15+s21+$0x0], $0xffff  }
0x6f: {  	v24 =	vor.u32 $0x280, v20;
	v25 =	vor.u32 $0x300, v20;
	v26 =	vor.u32 $0x380, v20;
	v19 =	vld [tilespmem:s0+$0x0];
	p1 =	slt.u32 s4, $0x3E  }
0x70: {  	v27 =	vld [tilespmem:s0+$0xFFFFFFF0];
	v17 =	vadd.f32 v17, v18  }
0x71: {  	v18 =	vld.idx.msk [tilespmem:v20+s21+$0x0], $0xffff  }
0x72: {  	v11 =	vadd.f32 v11, v14;
	v20 =	vld.idx.msk [tilespmem:v21+s21+$0x0], $0xffff;
	v21 =	vand.u32 $0x7F, v6;
	v6 =	vshll.u32 v6, $0x3  }
0x73: {  	v7 =	vadd.f32 v17, v7;
	v12 =	vadd.f32 v12, v16;
	v14 =	vld.idx.msk [tilespmem:v22+s21+$0x0], $0xffff;
	v28 =	vand.u32 $0xFFFFFC00, v6  }
0x74: {  	v8 =	vadd.f32 v9, v8;
	v9 =	vadd.f32 v15, v10;
	v16 =	vld.idx.msk [tilespmem:v26+s21+$0x0], $0xffff;
	v17 =	vor.u32 v21, v28  }
0x75: {  	v11 =	vadd.f32 v11, v12;
	v21 =	vld.idx.msk [tilespmem:v24+s21+$0x0], $0xffff;
	v10 =	vor.u32 $0x80, v17;
	v22 =	vor.u32 $0x100, v17;
	v6 =	vmovc v19  }
0x76: {  	v15 =	vor.u32 $0x180, v17;
	v24 =	vor.u32 $0x200, v17;
	v8 =	vadd.f32 v9, v8;
	v12 =	vld.idx.msk [tilespmem:v25+s21+$0x0], $0xffff  }
0x77: {  	v19 =	vor.u32 $0x280, v17;
	v26 =	vor.u32 $0x380, v17;
	v25 =	vor.u32 $0x300, v17;
	v13 =	vld.idx.msk [tilespmem:v13+s21+$0x0], $0xffff  }
0x78: {  	v18 =	vadd.f32 v20, v18;
	v11 =	vadd.f32 v11, v8;
	v23 =	vld.idx.msk [tilespmem:v23+s21+$0x0], $0xffff  }
0x79: {  	v8 =	vld.idx.msk [tilespmem:v17+s21+$0x0], $0xffff  }
0x7a: {  	v7 =	vadd.f32 v11, v7;
	v9 =	vld.idx.msk [tilespmem:v10+s21+$0x0], $0xffff  }
.Ltmp0:
0x7b: {  	v10 =	vld.idx.msk [tilespmem:v22+s21+$0x0], $0xffff;
	(pc) =	sbr.rel @p1 .LBB2_2-.Ltmp0, $4  }
0x7c: {  	v20 =	vand.u32 $0x7F, v27;
	v22 =	vshll.u32 v27, $0x3;
	v17 =	vadd.f32 v16, v12;
	v11 =	vld.idx.msk [tilespmem:v26+s21+$0x0], $0xffff  }
0x7d: {  	v16 =	vand.u32 $0xFFFFFC00, v22;
	v22 =	vadd.f32 v14, v13;
	v12 =	vld.idx.msk [tilespmem:v19+s21+$0x0], $0xffff  }
0x7e: {  	v20 =	vor.u32 v20, v16;
	v19 =	vadd.f32 v21, v23;
	v14 =	vld.idx.msk [tilespmem:v25+s21+$0x0], $0xffff  }
0x7f: {  	v21 =	vor.u32 $0x80, v20;
	v13 =	vor.u32 $0x100, v20;
	v18 =	vadd.f32 v22, v18;
	v16 =	vld.idx.msk [tilespmem:v24+s21+$0x0], $0xffff  }
0x80: {  	_ =	sdelay $0x2  }
0x81: {  	v22 =	vor.u32 $0x180, v20  }
0x82: {  	v23 =	vor.u32 $0x380, v20;
	v15 =	vld.idx.msk [tilespmem:v15+s21+$0x0], $0xffff  }
0x83: {  	v24 =	vor.u32 $0x280, v20;
	v26 =	vld.idx.msk [tilespmem:v20+s21+$0x0], $0xffff  }
0x84: {  	v25 =	vor.u32 $0x300, v20;
	v21 =	vld.idx.msk [tilespmem:v21+s21+$0x0], $0xffff;
	v27 =	vshll.u32 v6, $0x3  }
0x85: {  	v20 =	vor.u32 $0x200, v20;
	v6 =	vand.u32 $0x7F, v6;
	v13 =	vld.idx.msk [tilespmem:v13+s21+$0x0], $0xffff;
	v27 =	vand.u32 $0xFFFFFC00, v27  }
0x86: {  	v6 =	vor.u32 v6, v27;
	v22 =	vld.idx.msk [tilespmem:v22+s21+$0x0], $0xffff  }
0x87: {  	v27 =	vor.u32 $0x80, v6;
	v23 =	vld.idx.msk [tilespmem:v23+s21+$0x0], $0xffff  }
0x88: {  	v28 =	vor.u32 $0x100, v6;
	v24 =	vld.idx.msk [tilespmem:v24+s21+$0x0], $0xffff  }
0x89: {  	v29 =	vor.u32 $0x380, v6;
	v25 =	vld.idx.msk [tilespmem:v25+s21+$0x0], $0xffff  }
0x8a: {  	v30 =	vor.u32 $0x280, v6;
	v20 =	vld.idx.msk [tilespmem:v20+s21+$0x0], $0xffff  }
0x8b: {  	v31 =	vor.u32 $0x300, v6;
	v32 =	vld.idx.msk [tilespmem:v6+s21+$0x0], $0xffff  }
0x8c: {  	v33 =	vor.u32 $0x200, v6;
	v27 =	vld.idx.msk [tilespmem:v27+s21+$0x0], $0xffff  }
0x8d: {  	v17 =	vadd.f32 v17, v19;
	v6 =	vor.u32 $0x180, v6;
	v19 =	vld.idx.msk [tilespmem:v28+s21+$0x0], $0xffff  }
0x8e: {  	v8 =	vadd.f32 v9, v8;
	v11 =	vadd.f32 v11, v14;
	v14 =	vld.idx.msk [tilespmem:v29+s21+$0x0], $0xffff  }
0x8f: {  	v12 =	vadd.f32 v12, v16;
	v9 =	vadd.f32 v15, v10;
	v10 =	vld.idx.msk [tilespmem:v30+s21+$0x0], $0xffff  }
0x90: {  	v15 =	vadd.f32 v17, v18;
	v16 =	vld.idx.msk [tilespmem:v31+s21+$0x0], $0xffff  }
0x91: {  	v11 =	vadd.f32 v11, v12;
	v8 =	vadd.f32 v9, v8;
	v9 =	vld.idx.msk [tilespmem:v33+s21+$0x0], $0xffff  }
0x92: {  	v12 =	vadd.f32 v21, v26;
	v17 =	vadd.f32 v23, v25;
	v6 =	vld.idx.msk [tilespmem:v6+s21+$0x0], $0xffff  }
0x93: {  	v13 =	vadd.f32 v22, v13;
	v18 =	vadd.f32 v24, v20  }
0x94: {  	v7 =	vadd.f32 v15, v7;
	v8 =	vadd.f32 v11, v8  }
0x95: {  	v11 =	vadd.f32 v13, v12;
	v12 =	vadd.f32 v17, v18  }
0x96: {  	v13 =	vadd.f32 v14, v16;
	v9 =	vadd.f32 v10, v9  }
0x97: {  	v10 =	vadd.f32 v27, v32;
	v6 =	vadd.f32 v6, v19  }
0x98: {  	v7 =	vadd.f32 v8, v7;
	v8 =	vadd.f32 v12, v11  }
0x99: {  	v9 =	vadd.f32 v13, v9;
	v6 =	vadd.f32 v6, v10;
	_ =	sdelay $0x1  }
0x9a: {  	v7 =	vadd.f32 v8, v7;
	v6 =	vadd.f32 v9, v6;
	_ =	sdelay $0x1  }
0x9b: {  	v6 =	vadd.f32 v6, v7;
	_ =	sdelay $0x1  }
0x9c: {  	[tilespmem:$0x8D80] =	vst v6  }
0x9d: {  	[hbm4b:s13+s5] =	stream.linear.scatter [tilespmem:s25], [sflag:$0x3], $0x80, $0x200038;
	[tilespmem:$0x8E00] =	vst v63  }
0x9e: {  	_ =	swait.ge [sflag:s18], $0x80  }
0x9f: {  	[sflag:s18] =	ssyncset.done $0x0  }
0xa0: {  	[sflag:s18] =	ssyncadd.s32 $0xFFFFFF80  }
0xa1: {  	_ =	strace $0x90000049  }
0xa2: {  	_ =	strace $0x8000004A  }
0xa3: {  	_ =	swait.ge [sflag:s26], $0x4000  }
0xa4: {  	[sflag:s26] =	ssyncset.done $0x0  }
0xa5: {  	[sflag:s26] =	ssyncadd.s32 $0xFFFFC000  }
0xa6: {  	_ =	strace $0x9000004A  }
0xa7: {  	s0 =	simm.s32 $0x8190;
	_ =	strace $0x8000004B  }
0xa8: {  	v6 =	vld [tilespmem:s0+$0x0]  }
0xa9: {  	v7 =	vld [tilespmem:s0+$0xFFFFFFF0]  }
0xaa: {  	s4 =	simm.s32 $0x81B0  }
0xab: {  	v11 =	vld [tilespmem:s4+$0x0];
	_ =	sdelay $0x2  }
0xac: {  	v8 =	vshll.u32 v6, $0x3;
	v9 =	vshll.u32 v7, $0x3  }
0xad: {  	v6 =	vand.u32 $0x7F, v6;
	v7 =	vand.u32 $0x7F, v7;
	v8 =	vand.u32 $0xFFFFFC00, v8  }
0xae: {  	v20 =	vshll.u32 v11, $0x3;
	v9 =	vand.u32 $0xFFFFFC00, v9;
	v6 =	vor.u32 v6, v8  }
0xaf: {  	v11 =	vand.u32 $0x7F, v11;
	v20 =	vand.u32 $0xFFFFFC00, v20;
	v7 =	vor.u32 v7, v9  }
0xb0: {  	s2 =	simm.s32 $0x81D0;
	v11 =	vor.u32 v11, v20  }
0xb1: {  	v23 =	vld [tilespmem:s2+$0x0];
	v8 =	vor.u32 $0x80, v6  }
0xb2: {  	v9 =	vld [tilespmem:s4+$0xFFFFFFF0];
	v10 =	vor.u32 $0x80, v7  }
0xb3: {  	v12 =	vor.u32 $0x100, v7;
	v14 =	vld.idx.msk [tilespmem:v6+s30+$0x0], $0xffff  }
0xb4: {  	v13 =	vor.u32 $0x180, v7;
	v15 =	vld.idx.msk [tilespmem:v7+s30+$0x0], $0xffff  }
0xb5: {  	v16 =	vor.u32 $0x100, v6;
	v47 =	vld.idx.msk [tilespmem:v11+s30+$0x0], $0xffff  }
0xb6: {  	v17 =	vor.u32 $0x180, v6;
	v8 =	vld.idx.msk [tilespmem:v8+s30+$0x0], $0xffff  }
0xb7: {  	v18 =	vor.u32 $0x200, v7;
	v10 =	vld.idx.msk [tilespmem:v10+s30+$0x0], $0xffff  }
0xb8: {  	v19 =	vor.u32 $0x200, v6;
	v12 =	vld.idx.msk [tilespmem:v12+s30+$0x0], $0xffff  }
0xb9: {  	v20 =	vor.u32 $0x80, v11;
	v13 =	vld.idx.msk [tilespmem:v13+s30+$0x0], $0xffff  }
0xba: {  	v49 =	vor.u32 $0x100, v11;
	v16 =	vld.idx.msk [tilespmem:v16+s30+$0x0], $0xffff  }
0xbb: {  	v50 =	vor.u32 $0x180, v11;
	v21 =	vshll.u32 v9, $0x3;
	v17 =	vld.idx.msk [tilespmem:v17+s30+$0x0], $0xffff  }
0xbc: {  	v9 =	vand.u32 $0x7F, v9;
	v21 =	vand.u32 $0xFFFFFC00, v21;
	v18 =	vld.idx.msk [tilespmem:v18+s30+$0x0], $0xffff  }
0xbd: {  	v19 =	vld.idx.msk [tilespmem:v19+s30+$0x0], $0xffff;
	v9 =	vor.u32 v9, v21  }
0xbe: {  	v7 =	vor.u32 $0x280, v7;
	v20 =	vld.idx.msk [tilespmem:v20+s30+$0x0], $0xffff  }
0xbf: {  	v28 =	vld.idx.msk [tilespmem:v49+s30+$0x0], $0xffff;
	v22 =	vor.u32 $0x80, v9  }
0xc0: {  	v29 =	vld.idx.msk [tilespmem:v50+s30+$0x0], $0xffff;
	v45 =	vor.u32 $0x100, v9  }
0xc1: {  	s3 =	simm.s32 $0x8590;
	v21 =	vld [tilespmem:s2+$0xFFFFFFF0];
	v46 =	vor.u32 $0x180, v9  }
0xc2: {  	v51 =	vor.u32 $0x200, v9;
	[tilespmem:s3+$0xFFFFFFF0] =	vst v18;
	v48 =	vld.idx.msk [tilespmem:v9+s30+$0x0], $0xffff  }
0xc3: {  	v52 =	vor.u32 $0x200, v11;
	[tilespmem:s3+$0x0] =	vst v19;
	v19 =	vld.idx.msk [tilespmem:v7+s30+$0x0], $0xffff  }
0xc4: {  	v6 =	vor.u32 $0x280, v6;
	v22 =	vld.idx.msk [tilespmem:v22+s30+$0x0], $0xffff  }
0xc5: {  	v10 =	vadd.f32 v10, v15;
	v15 =	vshll.u32 v23, $0x3;
	v24 =	vld.idx.msk [tilespmem:v45+s30+$0x0], $0xffff  }
0xc6: {  	v23 =	vand.u32 $0x7F, v23;
	v53 =	vshll.u32 v21, $0x3;
	v15 =	vand.u32 $0xFFFFFC00, v15;
	v25 =	vld.idx.msk [tilespmem:v46+s30+$0x0], $0xffff  }
0xc7: {  	v18 =	vand.u32 $0x7F, v21;
	v30 =	vld.idx.msk [tilespmem:v51+s30+$0x0], $0xffff;
	v15 =	vor.u32 v23, v15;
	v21 =	vand.u32 $0xFFFFFC00, v53  }
0xc8: {  	v12 =	vadd.f32 v13, v12;
	v23 =	vld.idx.msk [tilespmem:v52+s30+$0x0], $0xffff;
	v13 =	vor.u32 v18, v21  }
0xc9: {  	s4 =	simm.s32 $0x81F0;
	v7 =	vadd.f32 v8, v14;
	v8 =	vor.u32 $0x80, v15;
	v21 =	vld.idx.msk [tilespmem:v6+s30+$0x0], $0xffff  }
0xca: {  	v6 =	vadd.f32 v12, v10;
	v10 =	vadd.f32 v17, v16;
	v16 =	vld [tilespmem:s4+$0xFFFFFFF0];
	v12 =	vor.u32 $0x80, v13  }
0xcb: {  	v14 =	vimm.f32 $0.0e+00;
	v17 =	vld [tilespmem:s4+$0x0];
	v18 =	vor.u32 $0x100, v13  }
0xcc: {  	v55 =	vor.u32 $0x100, v15;
	v6 =	vadd.f32 v6, v14;
	v10 =	vadd.f32 v10, v7;
	v7 =	vld.idx.msk [tilespmem:v15+s30+$0x0], $0xffff  }
0xcd: {  	v14 =	vor.u32 $0x180, v13;
	v22 =	vadd.f32 v22, v48;
	v54 =	vld.idx.msk [tilespmem:v13+s30+$0x0], $0xffff  }
0xce: {  	v56 =	vor.u32 $0x180, v15;
	v24 =	vadd.f32 v25, v24;
	v6 =	vadd.f32 v10, v6;
	v10 =	vld.idx.msk [tilespmem:v8+s30+$0x0], $0xffff  }
0xcf: {  	v20 =	vadd.f32 v20, v47;
	v59 =	vor.u32 $0x200, v15;
	v58 =	vld.idx.msk [tilespmem:v12+s30+$0x0], $0xffff  }
0xd0: {  	v57 =	vadd.f32 v29, v28;
	v8 =	vadd.f32 v24, v22;
	v22 =	vor.u32 $0x200, v13;
	v60 =	vld.idx.msk [tilespmem:v18+s30+$0x0], $0xffff  }
0xd1: {  	v63 =	vor.u32 $0x280, v11;
	v61 =	vor.u32 $0x280, v9;
	v12 =	vld.idx.msk [tilespmem:v55+s30+$0x0], $0xffff  }
0xd2: {  	v9 =	vadd.f32 v57, v20;
	v11 =	vshll.u32 v17, $0x3;
	v62 =	vld.idx.msk [tilespmem:v14+s30+$0x0], $0xffff;
	v18 =	vadd.f32 v8, v6  }
0xd3: {  	s0 =	simm.s32 $0x8990;
	v17 =	vand.u32 $0x7F, v17;
	v11 =	vand.u32 $0xFFFFFC00, v11;
	v14 =	vld.idx.msk [tilespmem:v56+s30+$0x0], $0xffff;
	v8 =	vor.u32 $0x280, v13  }
0xd4: {  	s4 =	simm.s32 $0x85B0;
	[tilespmem:s0+$0xFFFFFFF0] =	vst v19;
	v13 =	vshll.u32 v16, $0x3;
	v9 =	vadd.f32 v9, v18;
	v18 =	vor.u32 v17, v11;
	v17 =	vld.idx.msk [tilespmem:v59+s30+$0x0], $0xffff  }
0xd5: {  	[tilespmem:s4+$0xFFFFFFF0] =	vst v30;
	v6 =	vor.u32 $0x280, v15;
	v16 =	vand.u32 $0x7F, v16;
	v13 =	vand.u32 $0xFFFFFC00, v13;
	v15 =	vld.idx.msk [tilespmem:v22+s30+$0x0], $0xffff  }
0xd6: {  	[tilespmem:s4+$0x0] =	vst v23;
	v20 =	vor.u32 v16, v13;
	v13 =	vld.idx.msk [tilespmem:v61+s30+$0x0], $0xffff;
	v11 =	vor.u32 $0x200, v18;
	v19 =	vor.u32 $0x280, v18  }
0xd7: {  	s2 =	simm.s32 $0x6;
	s3 =	simm.s32 $0x8210;
	[tilespmem:s0+$0x0] =	vst v21;
	v16 =	vld.idx.msk [tilespmem:v63+s30+$0x0], $0xffff;
	v21 =	vor.u32 $0x80, v18;
	v22 =	vadd.f32 v58, v54;
	v23 =	vadd.f32 v62, v60  }
.LBB2_4:
0xd8: {  	v24 =	vld [tilespmem:s3+$0xFFFFFFF0];
	v25 =	vor.u32 $0x80, v20;
	v26 =	vor.u32 $0x200, v20;
	v10 =	vadd.f32 v10, v7;
	v27 =	vmovc v19  }
0xd9: {  	v28 =	vor.u32 $0x100, v20;
	v12 =	vadd.f32 v14, v12;
	s4 =	sadd.s32 $0x20, s4;
	v19 =	vld [tilespmem:s3+$0x0];
	v22 =	vadd.f32 v23, v22  }
0xda: {  	v14 =	vor.u32 $0x180, v20;
	v23 =	vor.u32 $0x280, v20;
	v7 =	vld.idx.msk [tilespmem:v18+s30+$0x0], $0xffff;
	[tilespmem:s4+$0xFFFFFFF0] =	vst v15  }
0xdb: {  	s0 =	sadd.s32 $0x20, s0;
	v15 =	vor.u32 $0x100, v18;
	v12 =	vadd.f32 v12, v10;
	v29 =	vld.idx.msk [tilespmem:v20+s30+$0x0], $0xffff;
	v9 =	vadd.f32 v22, v9;
	[tilespmem:s4+$0x0] =	vst v17  }
0xdc: {  	v17 =	vor.u32 $0x180, v18;
	v10 =	vld.idx.msk [tilespmem:v21+s30+$0x0], $0xffff;
	[tilespmem:s0+$0xFFFFFFF0] =	vst v13  }
0xdd: {  	v22 =	vld.idx.msk [tilespmem:v25+s30+$0x0], $0xffff;
	v9 =	vadd.f32 v12, v9;
	[tilespmem:s0+$0x0] =	vst v16  }
0xde: {  	v16 =	vld.idx.msk [tilespmem:v28+s30+$0x0], $0xffff  }
0xdf: {  	s2 =	sadd.s32 $0x2, s2;
	v25 =	vld.idx.msk [tilespmem:v14+s30+$0x0], $0xffff  }
0xe0: {  	p1 =	slt.u32 s2, $0x3E;
	v12 =	vld.idx.msk [tilespmem:v15+s30+$0x0], $0xffff  }
.Ltmp1:
0xe1: {  	v13 =	vshll.u32 v19, $0x3;
	v14 =	vld.idx.msk [tilespmem:v17+s30+$0x0], $0xffff;
	(pc) =	sbr.rel @p1 .LBB2_4-.Ltmp1, $4  }
0xe2: {  	v18 =	vand.u32 $0x7F, v19;
	v13 =	vand.u32 $0xFFFFFC00, v13;
	v17 =	vshll.u32 v24, $0x3;
	v15 =	vld.idx.msk [tilespmem:v26+s30+$0x0], $0xffff  }
0xe3: {  	v19 =	vand.u32 $0x7F, v24;
	v18 =	vor.u32 v18, v13;
	v20 =	vand.u32 $0xFFFFFC00, v17;
	v17 =	vld.idx.msk [tilespmem:v11+s30+$0x0], $0xffff  }
0xe4: {  	v20 =	vor.u32 v19, v20;
	v11 =	vor.u32 $0x200, v18;
	v19 =	vor.u32 $0x280, v18;
	v13 =	vld.idx.msk [tilespmem:v8+s30+$0x0], $0xffff;
	v8 =	vmovc v23  }
0xe5: {  	s3 =	sadd.s32 $0x20, s3;
	v21 =	vor.u32 $0x80, v18;
	v22 =	vadd.f32 v22, v29;
	v23 =	vadd.f32 v25, v16;
	v16 =	vld.idx.msk [tilespmem:v6+s30+$0x0], $0xffff;
	v6 =	vmovc v27  }
0xe6: {  	_ =	sdelay $0x2  }
0xe7: {  	v24 =	vor.u32 $0x80, v20  }
0xe8: {  	v25 =	vor.u32 $0x100, v20;
	v27 =	vld.idx.msk [tilespmem:v18+s30+$0x0], $0xffff  }
0xe9: {  	v26 =	vor.u32 $0x180, v20;
	v28 =	vld.idx.msk [tilespmem:v20+s30+$0x0], $0xffff  }
0xea: {  	v29 =	vor.u32 $0x100, v18;
	v21 =	vld.idx.msk [tilespmem:v21+s30+$0x0], $0xffff  }
0xeb: {  	v30 =	vor.u32 $0x200, v20;
	v11 =	vld.idx.msk [tilespmem:v11+s30+$0x0], $0xffff  }
0xec: {  	v54 =	vor.u32 $0x180, v18;
	v24 =	vld.idx.msk [tilespmem:v24+s30+$0x0], $0xffff  }
0xed: {  	v25 =	vld.idx.msk [tilespmem:v25+s30+$0x0], $0xffff  }
0xee: {  	v26 =	vld.idx.msk [tilespmem:v26+s30+$0x0], $0xffff  }
0xef: {  	v29 =	vld.idx.msk [tilespmem:v29+s30+$0x0], $0xffff  }
0xf0: {  	v7 =	vadd.f32 v10, v7;
	v30 =	vld.idx.msk [tilespmem:v30+s30+$0x0], $0xffff  }
0xf1: {  	v55 =	vor.u32 $0x280, v20;
	v12 =	vadd.f32 v14, v12;
	s2 =	sadd.s32 $0x20, s4;
	v56 =	vadd.f32 v23, v22;
	v57 =	vld.idx.msk [tilespmem:v54+s30+$0x0], $0xffff  }
0xf2: {  	[tilespmem:s2+$0xFFFFFFF0] =	vst v15  }
0xf3: {  	[tilespmem:s2+$0x0] =	vst v17;
	v7 =	vadd.f32 v12, v7;
	v8 =	vld.idx.msk [tilespmem:v8+s30+$0x0], $0xffff;
	s2 =	sadd.s32 $0x20, s2;
	v9 =	vadd.f32 v56, v9  }
0xf4: {  	v6 =	vld.idx.msk [tilespmem:v6+s30+$0x0], $0xffff;
	[tilespmem:s2+$0x0] =	vst v11;
	v58 =	vadd.f32 v24, v28;
	v59 =	vadd.f32 v26, v25  }
0xf5: {  	s0 =	sadd.s32 $0x20, s0;
	v7 =	vadd.f32 v7, v9;
	v60 =	vadd.f32 v21, v27;
	v63 =	vld.idx.msk [tilespmem:v19+s30+$0x0], $0xffff;
	[tilespmem:s2+$0xFFFFFFF0] =	vst v30  }
0xf6: {  	[tilespmem:s0+$0xFFFFFFF0] =	vst v13;
	v62 =	vadd.f32 v57, v29;
	v10 =	vld.idx.msk [tilespmem:v55+s30+$0x0], $0xffff;
	v61 =	vadd.f32 v59, v58  }
0xf7: {  	[tilespmem:s0+$0x0] =	vst v16;
	s0 =	sadd.s32 $0x20, s0  }
0xf8: {  	[tilespmem:s0+$0xFFFFFFF0] =	vst v8;
	v9 =	vadd.f32 v62, v60;
	v7 =	vadd.f32 v61, v7  }
0xf9: {  	[tilespmem:s0+$0x0] =	vst v6;
	s0 =	sadd.s32 $0x20, s0  }
0xfa: {  	[tilespmem:s0+$0x0] =	vst v63;
	v6 =	vadd.f32 v9, v7  }
0xfb: {  	[tilespmem:s0+$0xFFFFFFF0] =	vst v10  }
0xfc: {  	[tilespmem:$0x8D80] =	vst v6  }
0xfd: {  	[hbm4b:s14+s5] =	stream.linear.scatter [tilespmem:s25], [sflag:$0x3], $0x80, $0x200038;
	[tilespmem:$0x8E00] =	vst v63  }
0xfe: {  	_ =	swait.ge [sflag:s18], $0x80  }
0xff: {  	[sflag:s18] =	ssyncset.done $0x0  }
0x100: {  	[sflag:s18] =	ssyncadd.s32 $0xFFFFFF80  }
0x101: {  	[hbm4b:s15+s19] =	stream.strided.scatter [tilespmem:s29], [sflag:$0x3], $0x400, s28, s19, $0x200038;
	[tilespmem:$0x8E00] =	vst v63  }
0x102: {  	_ =	swait.ge [sflag:s18], $0x400  }
0x103: {  	s31 =	sadd.s32 $0x1, s31;
	[sflag:s18] =	ssyncset.done $0x0  }
0x104: {  	s3 =	simm.s32 @!p0 $0x8980;
	p1 =	sne.s32 s31, s17;
	[sflag:s18] =	ssyncadd.s32 $0xFFFFFC00  }
0x105: {  	s2 =	simm.s32 @!p0 $0x400;
	s0 =	simm.s32 @!p0 $0x80;
	_ =	strace $0x9000004B  }
0x106: {  	[hbm4b:s16+s0] =	stream.strided.scatter @!p0 [tilespmem:s3], [sflag:$0x3], $0x400, s2, s0, $0x38;
	[tilespmem:$0x8E00] =	vst v63  }
.Ltmp2:
0x107: {  	_ = 	snop;
	(pc) =	sbr.rel @p1 .LBB2_1-.Ltmp2, $4  }
0x108: {  	s0 =	simm.s32 @!p0 $0x3  }
0x109: {  	_ =	swait.ge @!p0 [sflag:s0], $0x400  }
0x10a: {  	[sflag:s0] =	ssyncset.done @!p0 $0x0  }
0x10b: {  	[sflag:s0] =	ssyncadd.s32 @!p0 $0xFFFFFC00  }
0x10c: {  	_ =	sfence.sel $0x180000  }
0x10d: {  	[bflag:$0x0] =	sbarrier.arrive $0xFFFF  }
0x10e: {  	_ =	strace $0x90000047  }
0x10f: {  	s0 =	stileid.u32;
	[bflag:$0x2] =	sbarrier.arrive $0xFFFF  }
0x110: {  	p0 =	sne.s32 s0, $0x0;
	s0 =	rddreg [dreg:$0x4]  }
0x111: {  	s0 =	sadd.s32 @!p0 $0x100000, s0  }
0x112: {  	[sflag:s0] =	ssyncadd.tile.s32 @!p0 $0x1;
	_ =	shalt  }
.Lfunc_end2:
_tile_overlayer_lowered:
.L_overlay_start_2:
0x113: {  	(tag) =	ssettag $0x2  }
0x114: {  	s0 =	rddreg [dreg:$0x0];
	s2 =	stileid.u32  }
0x115: {  	s1 =	rddreg [dreg:$0x1];
	p0 =	sne.s32 s2, $0x0  }
0x116: {  	s3 =	rddreg [dreg:$0x2];
	[bflag:$0x3] =	sbarrier.arrive $0xFFFF;
	s2 =	simm.s32 @!p0 $0x1C03  }
0x117: {  	[timem:s3], [sflag:s2] =	dma.local @!p0 [hbm:s0], s1  }
0x118: {  	s0 =	simm.s32 @!p0 $0x3  }
0x119: {  	_ =	swait.ge @!p0 [sflag:s0], s1  }
0x11a: {  	s1 =	ssub.s32 @!p0 $0x0, s1;
	[sflag:s0] =	ssyncset.done @!p0 $0x0  }
0x11b: {  	[sflag:s0] =	ssyncadd.s32 @!p0 s1  }
0x11c: {  	[bflag:$0x3] =	sbarrier.arrive $0xFFFF  }
0x11d: {  	_ =	shalt  }

</sc_bundles>
